<compile_context>
chip_gen: v7x
topology: tpu7x:2x2x1
jax: 0.10.2.dev20260603
libtpu: 0.0.44.dev20260713+nightly
codegen_flags: <defaults>
</compile_context>

<pallas_src>
import functools

import jax
import jax.numpy as jnp
from jax import lax
from jax.experimental import pallas as pl
from jax.experimental.pallas import tpu as pltpu
from jax.experimental.pallas import tpu_sc as plsc

_C = 128
_NBUF = 5


@functools.lru_cache(maxsize=None)
def _build(bt, h, d):
    info = plsc.get_sparse_core_info()
    nc, ns = info.num_cores, info.num_subcores
    nw = nc * ns
    assert bt % (nw * _C) == 0
    n_groups = h // _NBUF
    assert h == n_groups * _NBUF
    mesh = plsc.VectorSubcoreMesh(core_axis_name="c", subcore_axis_name="s")

    def body(xt_hbm, tab_hbm, out_hbm, idx_v, rows_v, *sems):
        gsems, ssems = sems[:_NBUF], sems[_NBUF:]
        wid = lax.axis_index("s") * nc + lax.axis_index("c")
        base = wid * _C
        pltpu.sync_copy(xt_hbm.at[:, pl.ds(base, _C)], idx_v)

        def start_gather(j, b):
            pltpu.make_async_copy(
                tab_hbm.at[idx_v.at[j]], rows_v.at[b], gsems[b]
            ).start()

        def wait_gather(b):
            pltpu.make_async_copy(
                tab_hbm.at[idx_v.at[0]], rows_v.at[b], gsems[b]
            ).wait()

        def start_store(j, b):
            pltpu.make_async_copy(
                rows_v.at[b], out_hbm.at[j, pl.ds(base, _C)], ssems[b]
            ).start()

        def wait_store(b):
            pltpu.make_async_copy(
                rows_v.at[b], out_hbm.at[0, pl.ds(base, _C)], ssems[b]
            ).wait()

        for b in range(_NBUF):
            start_gather(b, b)

        def group(g, carry):
            for b in range(_NBUF):
                j = g * _NBUF + b
                wait_gather(b)
                start_store(j, b)

                @pl.when(g < n_groups - 1)
                def _():
                    wait_store(b)
                    start_gather(j + _NBUF, b)

            return carry

        lax.fori_loop(0, n_groups, group, 0)
        for b in range(_NBUF):
            wait_store(b)

    return pl.kernel(
        body,
        mesh=mesh,
        out_type=jax.ShapeDtypeStruct((h, bt, d), jnp.float32),
        scratch_types=[
            pltpu.VMEM((h, _C), jnp.int32),
            pltpu.VMEM((_NBUF, _C, d), jnp.float32),
        ]
        + [pltpu.SemaphoreType.DMA] * (2 * _NBUF),
        compiler_params=pltpu.CompilerParams(use_tc_tiling_on_sc=True),
    )


def kernel(x, table):
    bt, h = x.shape
    _, d = table.shape
    xt = jnp.transpose(x.astype(jnp.int32))
    out = _build(bt, h, d)(xt, table)
    return jnp.transpose(out, (1, 0, 2))

# --- scband reference (transcript-rebuilt; emitter-appended) ---
"""Pipeline reference for scband-embedder-30494267802061 (READ-ONLY COPY).

The authoritative reference and input builder live on the scoring server;
editing this copy changes nothing except your own understanding.
"""

import jax, jax.numpy as jnp
import numpy as np

VOCAB = 100000
EMBED_DIM = 128
BATCH = 4096
HIST = 50
PADDING_IDX = 1

def setup_inputs(seed: int = 0) -> dict:
    key = jax.random.key(seed)
    k1, k2 = jax.random.split(key)
    x = jax.random.randint(k1, (BATCH, HIST), 0, VOCAB, dtype=jnp.int64)
    table = jax.random.normal(k2, (VOCAB, EMBED_DIM), dtype=jnp.float32)
    # nn.Embedding with padding_idx=1 keeps row 1 at zero
    table = table.at[PADDING_IDX].set(0.0)
    return {"x": x, "table": table}

def reference(x, table):
    # Embedder.forward with use_tfidf=False: self.embedding_layer(x.long())
    t = table.at[PADDING_IDX].set(0.0)
    return jnp.take(t, x, axis=0)

if __name__ == "__main__":
    import jax
    _d = setup_inputs()
    print(jax.jit(kernel)(*tuple(_d.values())))

</pallas_src>

<mosaic_0001>
#map = affine_map<(d0, d1) -> (0, 0)>
#map1 = affine_map<(d0, d1) -> (0, 0, 0)>
module attributes {stable_mosaic.version = 14 : i64} {
  func.func @body(%arg0: i32, %arg1: i32, %arg2: memref<50x4096xi32, #tpu.memory_space<hbm>>, %arg3: memref<100000x128xf32, #tpu.memory_space<hbm>>, %arg4: memref<50x4096x128xf32, #tpu.memory_space<hbm>>, %arg5: memref<50x128xi32, #tpu.memory_space<vmem>>, %arg6: memref<5x128x128xf32, #tpu.memory_space<vmem>>, %arg7: memref<!tpu.dma_semaphore, #tpu.memory_space<semaphore_mem>>, %arg8: memref<!tpu.dma_semaphore, #tpu.memory_space<semaphore_mem>>, %arg9: memref<!tpu.dma_semaphore, #tpu.memory_space<semaphore_mem>>, %arg10: memref<!tpu.dma_semaphore, #tpu.memory_space<semaphore_mem>>, %arg11: memref<!tpu.dma_semaphore, #tpu.memory_space<semaphore_mem>>, %arg12: memref<!tpu.dma_semaphore, #tpu.memory_space<semaphore_mem>>, %arg13: memref<!tpu.dma_semaphore, #tpu.memory_space<semaphore_mem>>, %arg14: memref<!tpu.dma_semaphore, #tpu.memory_space<semaphore_mem>>, %arg15: memref<!tpu.dma_semaphore, #tpu.memory_space<semaphore_mem>>, %arg16: memref<!tpu.dma_semaphore, #tpu.memory_space<semaphore_mem>>) attributes {dimension_semantics = [#tpu.dimension_semantics<core_parallel>, #tpu.dimension_semantics<subcore_parallel>], iteration_bounds = array<i64: 2, 16>, scalar_prefetch = 0 : i64, scratch_operands = 12 : i64, tpu.core_type = #tpu.core_type<sc_vector_subcore>, window_params = [{transform_indices = #map}, {transform_indices = #map}, {transform_indices = #map1}]} {
    %mul3A = arith.constant 2 : i32
    %mul3A_0 = arith.muli %arg1, %mul3A : i32
    %add3A = arith.addi %mul3A_0, %arg0 : i32
    %mul3A_1 = arith.constant 128 : i32
    %mul3A_2 = arith.muli %add3A, %mul3A_1 : i32
    "tpu.region"() ({
      %run_scoped3A = tpu.sem_alloc : memref<!tpu.dma_semaphore, #tpu.memory_space<semaphore_mem>>
      %dma_start3A_146 = arith.constant 0 : i32
      %dma_start3A_147 = tpu.memref_slice %arg2[%dma_start3A_146, %mul3A_2] : memref<50x4096xi32, #tpu.memory_space<hbm>> -> memref<50x128xi32, #tpu.memory_space<hbm>>
      %dma_start3A_148 = arith.constant 0 : i32
      %dma_start3A_149 = tpu.memref_slice %arg2[%dma_start3A_148, %mul3A_2] : memref<50x4096xi32, #tpu.memory_space<hbm>> -> memref<50x128xi32, #tpu.memory_space<hbm>>
      tpu.enqueue_dma source(%dma_start3A_149 : memref<50x128xi32, #tpu.memory_space<hbm>>) target(%arg5 : memref<50x128xi32, #tpu.memory_space<vmem>>) target_semaphore(%run_scoped3A : memref<!tpu.dma_semaphore, #tpu.memory_space<semaphore_mem>>)
      %dma_wait3A_150 = arith.constant 0 : i32
      %dma_wait3A_151 = tpu.memref_slice %arg2[%dma_wait3A_150, %mul3A_2] : memref<50x4096xi32, #tpu.memory_space<hbm>> -> memref<50x128xi32, #tpu.memory_space<hbm>>
      %dma_wait3A_152 = arith.constant 0 : i32
      %dma_wait3A_153 = tpu.memref_slice %arg2[%dma_wait3A_152, %mul3A_2] : memref<50x4096xi32, #tpu.memory_space<hbm>> -> memref<50x128xi32, #tpu.memory_space<hbm>>
      tpu.wait_dma2 semaphore(%run_scoped3A : memref<!tpu.dma_semaphore, #tpu.memory_space<semaphore_mem>>) src(%dma_wait3A_153 : memref<50x128xi32, #tpu.memory_space<hbm>>) dst(%arg5 : memref<50x128xi32, #tpu.memory_space<vmem>>)
      tpu.yield
    }) : () -> ()
    %dma_start3A = arith.constant 0 : i32
    %dma_start3A_3 = arith.constant 0 : i32
    %dma_start3A_4 = arith.constant 0 : i32
    %dma_start3A_5 = arith.constant 0 : i32
    %dma_start3A_6 = tpu.memref_slice %arg6[%dma_start3A_3, %dma_start3A_4, %dma_start3A_5] : memref<5x128x128xf32, #tpu.memory_space<vmem>> -> memref<1x128x128xf32, #tpu.memory_space<vmem>>
    %dma_start3A_7 = tpu.memref_squeeze %dma_start3A_6 : memref<1x128x128xf32, #tpu.memory_space<vmem>> -> memref<128x128xf32, #tpu.memory_space<vmem>>
    %dma_start3A_8 = arith.constant 0 : i32
    %dma_start3A_9 = tpu.memref_slice %arg5[%dma_start3A, %dma_start3A_8] : memref<50x128xi32, #tpu.memory_space<vmem>> -> memref<1x128xi32, #tpu.memory_space<vmem>>
    %dma_start3A_10 = tpu.memref_squeeze %dma_start3A_9 : memref<1x128xi32, #tpu.memory_space<vmem>> -> memref<128xi32, #tpu.memory_space<vmem>>
    %dma_start3A_11 = arith.constant 0 : i32
    %dma_start3A_12 = arith.constant 0 : i32
    %dma_start3A_13 = tpu.memref_slice %arg3[%dma_start3A_11, %dma_start3A_12] : memref<100000x128xf32, #tpu.memory_space<hbm>> -> memref<100000x128xf32, #tpu.memory_space<hbm>>
    tpu.enqueue_indirect_dma source(%dma_start3A_13 : memref<100000x128xf32, #tpu.memory_space<hbm>>) target(%dma_start3A_7 : memref<128x128xf32, #tpu.memory_space<vmem>>) offsets(%dma_start3A_10 : memref<128xi32, #tpu.memory_space<vmem>>) semaphore(%arg7 : memref<!tpu.dma_semaphore, #tpu.memory_space<semaphore_mem>>)
    %dma_start3A_14 = arith.constant 1 : i32
    %dma_start3A_15 = arith.constant 1 : i32
    %dma_start3A_16 = arith.constant 0 : i32
    %dma_start3A_17 = arith.constant 0 : i32
    %dma_start3A_18 = tpu.memref_slice %arg6[%dma_start3A_15, %dma_start3A_16, %dma_start3A_17] : memref<5x128x128xf32, #tpu.memory_space<vmem>> -> memref<1x128x128xf32, #tpu.memory_space<vmem>>
    %dma_start3A_19 = tpu.memref_squeeze %dma_start3A_18 : memref<1x128x128xf32, #tpu.memory_space<vmem>> -> memref<128x128xf32, #tpu.memory_space<vmem>>
    %dma_start3A_20 = arith.constant 0 : i32
    %dma_start3A_21 = tpu.memref_slice %arg5[%dma_start3A_14, %dma_start3A_20] : memref<50x128xi32, #tpu.memory_space<vmem>> -> memref<1x128xi32, #tpu.memory_space<vmem>>
    %dma_start3A_22 = tpu.memref_squeeze %dma_start3A_21 : memref<1x128xi32, #tpu.memory_space<vmem>> -> memref<128xi32, #tpu.memory_space<vmem>>
    %dma_start3A_23 = arith.constant 0 : i32
    %dma_start3A_24 = arith.constant 0 : i32
    %dma_start3A_25 = tpu.memref_slice %arg3[%dma_start3A_23, %dma_start3A_24] : memref<100000x128xf32, #tpu.memory_space<hbm>> -> memref<100000x128xf32, #tpu.memory_space<hbm>>
    tpu.enqueue_indirect_dma source(%dma_start3A_25 : memref<100000x128xf32, #tpu.memory_space<hbm>>) target(%dma_start3A_19 : memref<128x128xf32, #tpu.memory_space<vmem>>) offsets(%dma_start3A_22 : memref<128xi32, #tpu.memory_space<vmem>>) semaphore(%arg8 : memref<!tpu.dma_semaphore, #tpu.memory_space<semaphore_mem>>)
    %dma_start3A_26 = arith.constant 2 : i32
    %dma_start3A_27 = arith.constant 2 : i32
    %dma_start3A_28 = arith.constant 0 : i32
    %dma_start3A_29 = arith.constant 0 : i32
    %dma_start3A_30 = tpu.memref_slice %arg6[%dma_start3A_27, %dma_start3A_28, %dma_start3A_29] : memref<5x128x128xf32, #tpu.memory_space<vmem>> -> memref<1x128x128xf32, #tpu.memory_space<vmem>>
    %dma_start3A_31 = tpu.memref_squeeze %dma_start3A_30 : memref<1x128x128xf32, #tpu.memory_space<vmem>> -> memref<128x128xf32, #tpu.memory_space<vmem>>
    %dma_start3A_32 = arith.constant 0 : i32
    %dma_start3A_33 = tpu.memref_slice %arg5[%dma_start3A_26, %dma_start3A_32] : memref<50x128xi32, #tpu.memory_space<vmem>> -> memref<1x128xi32, #tpu.memory_space<vmem>>
    %dma_start3A_34 = tpu.memref_squeeze %dma_start3A_33 : memref<1x128xi32, #tpu.memory_space<vmem>> -> memref<128xi32, #tpu.memory_space<vmem>>
    %dma_start3A_35 = arith.constant 0 : i32
    %dma_start3A_36 = arith.constant 0 : i32
    %dma_start3A_37 = tpu.memref_slice %arg3[%dma_start3A_35, %dma_start3A_36] : memref<100000x128xf32, #tpu.memory_space<hbm>> -> memref<100000x128xf32, #tpu.memory_space<hbm>>
    tpu.enqueue_indirect_dma source(%dma_start3A_37 : memref<100000x128xf32, #tpu.memory_space<hbm>>) target(%dma_start3A_31 : memref<128x128xf32, #tpu.memory_space<vmem>>) offsets(%dma_start3A_34 : memref<128xi32, #tpu.memory_space<vmem>>) semaphore(%arg9 : memref<!tpu.dma_semaphore, #tpu.memory_space<semaphore_mem>>)
    %dma_start3A_38 = arith.constant 3 : i32
    %dma_start3A_39 = arith.constant 3 : i32
    %dma_start3A_40 = arith.constant 0 : i32
    %dma_start3A_41 = arith.constant 0 : i32
    %dma_start3A_42 = tpu.memref_slice %arg6[%dma_start3A_39, %dma_start3A_40, %dma_start3A_41] : memref<5x128x128xf32, #tpu.memory_space<vmem>> -> memref<1x128x128xf32, #tpu.memory_space<vmem>>
    %dma_start3A_43 = tpu.memref_squeeze %dma_start3A_42 : memref<1x128x128xf32, #tpu.memory_space<vmem>> -> memref<128x128xf32, #tpu.memory_space<vmem>>
    %dma_start3A_44 = arith.constant 0 : i32
    %dma_start3A_45 = tpu.memref_slice %arg5[%dma_start3A_38, %dma_start3A_44] : memref<50x128xi32, #tpu.memory_space<vmem>> -> memref<1x128xi32, #tpu.memory_space<vmem>>
    %dma_start3A_46 = tpu.memref_squeeze %dma_start3A_45 : memref<1x128xi32, #tpu.memory_space<vmem>> -> memref<128xi32, #tpu.memory_space<vmem>>
    %dma_start3A_47 = arith.constant 0 : i32
    %dma_start3A_48 = arith.constant 0 : i32
    %dma_start3A_49 = tpu.memref_slice %arg3[%dma_start3A_47, %dma_start3A_48] : memref<100000x128xf32, #tpu.memory_space<hbm>> -> memref<100000x128xf32, #tpu.memory_space<hbm>>
    tpu.enqueue_indirect_dma source(%dma_start3A_49 : memref<100000x128xf32, #tpu.memory_space<hbm>>) target(%dma_start3A_43 : memref<128x128xf32, #tpu.memory_space<vmem>>) offsets(%dma_start3A_46 : memref<128xi32, #tpu.memory_space<vmem>>) semaphore(%arg10 : memref<!tpu.dma_semaphore, #tpu.memory_space<semaphore_mem>>)
    %dma_start3A_50 = arith.constant 4 : i32
    %dma_start3A_51 = arith.constant 4 : i32
    %dma_start3A_52 = arith.constant 0 : i32
    %dma_start3A_53 = arith.constant 0 : i32
    %dma_start3A_54 = tpu.memref_slice %arg6[%dma_start3A_51, %dma_start3A_52, %dma_start3A_53] : memref<5x128x128xf32, #tpu.memory_space<vmem>> -> memref<1x128x128xf32, #tpu.memory_space<vmem>>
    %dma_start3A_55 = tpu.memref_squeeze %dma_start3A_54 : memref<1x128x128xf32, #tpu.memory_space<vmem>> -> memref<128x128xf32, #tpu.memory_space<vmem>>
    %dma_start3A_56 = arith.constant 0 : i32
    %dma_start3A_57 = tpu.memref_slice %arg5[%dma_start3A_50, %dma_start3A_56] : memref<50x128xi32, #tpu.memory_space<vmem>> -> memref<1x128xi32, #tpu.memory_space<vmem>>
    %dma_start3A_58 = tpu.memref_squeeze %dma_start3A_57 : memref<1x128xi32, #tpu.memory_space<vmem>> -> memref<128xi32, #tpu.memory_space<vmem>>
    %dma_start3A_59 = arith.constant 0 : i32
    %dma_start3A_60 = arith.constant 0 : i32
    %dma_start3A_61 = tpu.memref_slice %arg3[%dma_start3A_59, %dma_start3A_60] : memref<100000x128xf32, #tpu.memory_space<hbm>> -> memref<100000x128xf32, #tpu.memory_space<hbm>>
    tpu.enqueue_indirect_dma source(%dma_start3A_61 : memref<100000x128xf32, #tpu.memory_space<hbm>>) target(%dma_start3A_55 : memref<128x128xf32, #tpu.memory_space<vmem>>) offsets(%dma_start3A_58 : memref<128xi32, #tpu.memory_space<vmem>>) semaphore(%arg11 : memref<!tpu.dma_semaphore, #tpu.memory_space<semaphore_mem>>)
    %scan3A = arith.constant 0 : i32
    %scan3A_62 = arith.constant 0 : i32
    %scan3A_63 = arith.constant 10 : i32
    %scan3A_64 = arith.addi %scan3A_62, %scan3A_63 : i32
    %scan3A_65 = arith.constant 1 : i32
    scf.for %scan3A_146 = %scan3A_62 to %scan3A_64 step %scan3A_65  : i32 {
      %mul3A_147 = arith.constant 5 : i32
      %mul3A_148 = arith.muli %scan3A_146, %mul3A_147 : i32
      %add3A_149 = arith.constant 0 : i32
      %add3A_150 = arith.addi %mul3A_148, %add3A_149 : i32
      %dma_wait3A_151 = arith.constant 0 : i32
      %dma_wait3A_152 = arith.constant 0 : i32
      %dma_wait3A_153 = arith.constant 0 : i32
      %dma_wait3A_154 = arith.constant 0 : i32
      %dma_wait3A_155 = tpu.memref_slice %arg6[%dma_wait3A_152, %dma_wait3A_153, %dma_wait3A_154] : memref<5x128x128xf32, #tpu.memory_space<vmem>> -> memref<1x128x128xf32, #tpu.memory_space<vmem>>
      %dma_wait3A_156 = tpu.memref_squeeze %dma_wait3A_155 : memref<1x128x128xf32, #tpu.memory_space<vmem>> -> memref<128x128xf32, #tpu.memory_space<vmem>>
      %dma_wait3A_157 = arith.constant 0 : i32
      %dma_wait3A_158 = tpu.memref_slice %arg5[%dma_wait3A_151, %dma_wait3A_157] : memref<50x128xi32, #tpu.memory_space<vmem>> -> memref<1x128xi32, #tpu.memory_space<vmem>>
      %dma_wait3A_159 = tpu.memref_squeeze %dma_wait3A_158 : memref<1x128xi32, #tpu.memory_space<vmem>> -> memref<128xi32, #tpu.memory_space<vmem>>
      %dma_wait3A_160 = arith.constant 0 : i32
      %dma_wait3A_161 = arith.constant 0 : i32
      %dma_wait3A_162 = tpu.memref_slice %arg3[%dma_wait3A_160, %dma_wait3A_161] : memref<100000x128xf32, #tpu.memory_space<hbm>> -> memref<100000x128xf32, #tpu.memory_space<hbm>>
      tpu.wait_indirect_dma semaphore(%arg7 : memref<!tpu.dma_semaphore, #tpu.memory_space<semaphore_mem>>) src(%dma_wait3A_162 : memref<100000x128xf32, #tpu.memory_space<hbm>>) dst(%dma_wait3A_156 : memref<128x128xf32, #tpu.memory_space<vmem>>)
      %dma_start3A_163 = arith.constant 0 : i32
      %dma_start3A_164 = arith.constant 0 : i32
      %dma_start3A_165 = arith.constant 0 : i32
      %dma_start3A_166 = tpu.memref_slice %arg6[%dma_start3A_163, %dma_start3A_164, %dma_start3A_165] : memref<5x128x128xf32, #tpu.memory_space<vmem>> -> memref<1x128x128xf32, #tpu.memory_space<vmem>>
      %dma_start3A_167 = tpu.memref_squeeze %dma_start3A_166 : memref<1x128x128xf32, #tpu.memory_space<vmem>> -> memref<128x128xf32, #tpu.memory_space<vmem>>
      %dma_start3A_168 = arith.constant 0 : i32
      %dma_start3A_169 = tpu.memref_slice %arg4[%add3A_150, %mul3A_2, %dma_start3A_168] : memref<50x4096x128xf32, #tpu.memory_space<hbm>> -> memref<1x128x128xf32, #tpu.memory_space<hbm>>
      %dma_start3A_170 = tpu.memref_squeeze %dma_start3A_169 : memref<1x128x128xf32, #tpu.memory_space<hbm>> -> memref<128x128xf32, #tpu.memory_space<hbm>>
      %dma_start3A_171 = arith.constant 0 : i32
      %dma_start3A_172 = tpu.memref_slice %arg4[%add3A_150, %mul3A_2, %dma_start3A_171] : memref<50x4096x128xf32, #tpu.memory_space<hbm>> -> memref<1x128x128xf32, #tpu.memory_space<hbm>>
      %dma_start3A_173 = tpu.memref_squeeze %dma_start3A_172 : memref<1x128x128xf32, #tpu.memory_space<hbm>> -> memref<128x128xf32, #tpu.memory_space<hbm>>
      %dma_start3A_174 = arith.constant 0 : i32
      %dma_start3A_175 = arith.constant 0 : i32
      %dma_start3A_176 = tpu.memref_slice %arg6[%dma_start3A_163, %dma_start3A_174, %dma_start3A_175] : memref<5x128x128xf32, #tpu.memory_space<vmem>> -> memref<1x128x128xf32, #tpu.memory_space<vmem>>
      %dma_start3A_177 = tpu.memref_squeeze %dma_start3A_176 : memref<1x128x128xf32, #tpu.memory_space<vmem>> -> memref<128x128xf32, #tpu.memory_space<vmem>>
      tpu.enqueue_dma source(%dma_start3A_177 : memref<128x128xf32, #tpu.memory_space<vmem>>) target(%dma_start3A_173 : memref<128x128xf32, #tpu.memory_space<hbm>>) target_semaphore(%arg12 : memref<!tpu.dma_semaphore, #tpu.memory_space<semaphore_mem>>)
      %lt3A = arith.constant 9 : i32
      %lt3A_178 = arith.cmpi slt, %scan3A_146, %lt3A : i32
      %convert_element_type3A = arith.extui %lt3A_178 : i1 to i32
      %cond3A = arith.constant 0 : i32
      %cond3A_179 = arith.cmpi ne, %convert_element_type3A, %cond3A : i32
      scf.if %cond3A_179 {
        %dma_wait3A_324 = arith.constant 0 : i32
        %dma_wait3A_325 = arith.constant 0 : i32
        %dma_wait3A_326 = arith.constant 0 : i32
        %dma_wait3A_327 = arith.constant 0 : i32
        %dma_wait3A_328 = tpu.memref_slice %arg6[%dma_wait3A_324, %dma_wait3A_326, %dma_wait3A_327] : memref<5x128x128xf32, #tpu.memory_space<vmem>> -> memref<1x128x128xf32, #tpu.memory_space<vmem>>
        %dma_wait3A_329 = tpu.memref_squeeze %dma_wait3A_328 : memref<1x128x128xf32, #tpu.memory_space<vmem>> -> memref<128x128xf32, #tpu.memory_space<vmem>>
        %dma_wait3A_330 = arith.constant 0 : i32
        %dma_wait3A_331 = tpu.memref_slice %arg4[%dma_wait3A_325, %mul3A_2, %dma_wait3A_330] : memref<50x4096x128xf32, #tpu.memory_space<hbm>> -> memref<1x128x128xf32, #tpu.memory_space<hbm>>
        %dma_wait3A_332 = tpu.memref_squeeze %dma_wait3A_331 : memref<1x128x128xf32, #tpu.memory_space<hbm>> -> memref<128x128xf32, #tpu.memory_space<hbm>>
        %dma_wait3A_333 = arith.constant 0 : i32
        %dma_wait3A_334 = tpu.memref_slice %arg4[%dma_wait3A_325, %mul3A_2, %dma_wait3A_333] : memref<50x4096x128xf32, #tpu.memory_space<hbm>> -> memref<1x128x128xf32, #tpu.memory_space<hbm>>
        %dma_wait3A_335 = tpu.memref_squeeze %dma_wait3A_334 : memref<1x128x128xf32, #tpu.memory_space<hbm>> -> memref<128x128xf32, #tpu.memory_space<hbm>>
        %dma_wait3A_336 = arith.constant 0 : i32
        %dma_wait3A_337 = arith.constant 0 : i32
        %dma_wait3A_338 = tpu.memref_slice %arg6[%dma_wait3A_324, %dma_wait3A_336, %dma_wait3A_337] : memref<5x128x128xf32, #tpu.memory_space<vmem>> -> memref<1x128x128xf32, #tpu.memory_space<vmem>>
        %dma_wait3A_339 = tpu.memref_squeeze %dma_wait3A_338 : memref<1x128x128xf32, #tpu.memory_space<vmem>> -> memref<128x128xf32, #tpu.memory_space<vmem>>
        tpu.wait_dma2 semaphore(%arg12 : memref<!tpu.dma_semaphore, #tpu.memory_space<semaphore_mem>>) src(%dma_wait3A_339 : memref<128x128xf32, #tpu.memory_space<vmem>>) dst(%dma_wait3A_335 : memref<128x128xf32, #tpu.memory_space<hbm>>)
        %add3A_340 = arith.constant 5 : i32
        %add3A_341 = arith.addi %add3A_150, %add3A_340 : i32
        %dma_start3A_342 = arith.constant 0 : i32
        %dma_start3A_343 = arith.constant 0 : i32
        %dma_start3A_344 = arith.constant 0 : i32
        %dma_start3A_345 = tpu.memref_slice %arg6[%dma_start3A_342, %dma_start3A_343, %dma_start3A_344] : memref<5x128x128xf32, #tpu.memory_space<vmem>> -> memref<1x128x128xf32, #tpu.memory_space<vmem>>
        %dma_start3A_346 = tpu.memref_squeeze %dma_start3A_345 : memref<1x128x128xf32, #tpu.memory_space<vmem>> -> memref<128x128xf32, #tpu.memory_space<vmem>>
        %dma_start3A_347 = arith.constant 0 : i32
        %dma_start3A_348 = tpu.memref_slice %arg5[%add3A_341, %dma_start3A_347] : memref<50x128xi32, #tpu.memory_space<vmem>> -> memref<1x128xi32, #tpu.memory_space<vmem>>
        %dma_start3A_349 = tpu.memref_squeeze %dma_start3A_348 : memref<1x128xi32, #tpu.memory_space<vmem>> -> memref<128xi32, #tpu.memory_space<vmem>>
        %dma_start3A_350 = arith.constant 0 : i32
        %dma_start3A_351 = arith.constant 0 : i32
        %dma_start3A_352 = tpu.memref_slice %arg3[%dma_start3A_350, %dma_start3A_351] : memref<100000x128xf32, #tpu.memory_space<hbm>> -> memref<100000x128xf32, #tpu.memory_space<hbm>>
        tpu.enqueue_indirect_dma source(%dma_start3A_352 : memref<100000x128xf32, #tpu.memory_space<hbm>>) target(%dma_start3A_346 : memref<128x128xf32, #tpu.memory_space<vmem>>) offsets(%dma_start3A_349 : memref<128xi32, #tpu.memory_space<vmem>>) semaphore(%arg7 : memref<!tpu.dma_semaphore, #tpu.memory_space<semaphore_mem>>)
      } else {
      }
      %mul3A_180 = arith.constant 5 : i32
      %mul3A_181 = arith.muli %scan3A_146, %mul3A_180 : i32
      %add3A_182 = arith.constant 1 : i32
      %add3A_183 = arith.addi %mul3A_181, %add3A_182 : i32
      %dma_wait3A_184 = arith.constant 0 : i32
      %dma_wait3A_185 = arith.constant 1 : i32
      %dma_wait3A_186 = arith.constant 0 : i32
      %dma_wait3A_187 = arith.constant 0 : i32
      %dma_wait3A_188 = tpu.memref_slice %arg6[%dma_wait3A_185, %dma_wait3A_186, %dma_wait3A_187] : memref<5x128x128xf32, #tpu.memory_space<vmem>> -> memref<1x128x128xf32, #tpu.memory_space<vmem>>
      %dma_wait3A_189 = tpu.memref_squeeze %dma_wait3A_188 : memref<1x128x128xf32, #tpu.memory_space<vmem>> -> memref<128x128xf32, #tpu.memory_space<vmem>>
      %dma_wait3A_190 = arith.constant 0 : i32
      %dma_wait3A_191 = tpu.memref_slice %arg5[%dma_wait3A_184, %dma_wait3A_190] : memref<50x128xi32, #tpu.memory_space<vmem>> -> memref<1x128xi32, #tpu.memory_space<vmem>>
      %dma_wait3A_192 = tpu.memref_squeeze %dma_wait3A_191 : memref<1x128xi32, #tpu.memory_space<vmem>> -> memref<128xi32, #tpu.memory_space<vmem>>
      %dma_wait3A_193 = arith.constant 0 : i32
      %dma_wait3A_194 = arith.constant 0 : i32
      %dma_wait3A_195 = tpu.memref_slice %arg3[%dma_wait3A_193, %dma_wait3A_194] : memref<100000x128xf32, #tpu.memory_space<hbm>> -> memref<100000x128xf32, #tpu.memory_space<hbm>>
      tpu.wait_indirect_dma semaphore(%arg8 : memref<!tpu.dma_semaphore, #tpu.memory_space<semaphore_mem>>) src(%dma_wait3A_195 : memref<100000x128xf32, #tpu.memory_space<hbm>>) dst(%dma_wait3A_189 : memref<128x128xf32, #tpu.memory_space<vmem>>)
      %dma_start3A_196 = arith.constant 1 : i32
      %dma_start3A_197 = arith.constant 0 : i32
      %dma_start3A_198 = arith.constant 0 : i32
      %dma_start3A_199 = tpu.memref_slice %arg6[%dma_start3A_196, %dma_start3A_197, %dma_start3A_198] : memref<5x128x128xf32, #tpu.memory_space<vmem>> -> memref<1x128x128xf32, #tpu.memory_space<vmem>>
      %dma_start3A_200 = tpu.memref_squeeze %dma_start3A_199 : memref<1x128x128xf32, #tpu.memory_space<vmem>> -> memref<128x128xf32, #tpu.memory_space<vmem>>
      %dma_start3A_201 = arith.constant 0 : i32
      %dma_start3A_202 = tpu.memref_slice %arg4[%add3A_183, %mul3A_2, %dma_start3A_201] : memref<50x4096x128xf32, #tpu.memory_space<hbm>> -> memref<1x128x128xf32, #tpu.memory_space<hbm>>
      %dma_start3A_203 = tpu.memref_squeeze %dma_start3A_202 : memref<1x128x128xf32, #tpu.memory_space<hbm>> -> memref<128x128xf32, #tpu.memory_space<hbm>>
      %dma_start3A_204 = arith.constant 0 : i32
      %dma_start3A_205 = tpu.memref_slice %arg4[%add3A_183, %mul3A_2, %dma_start3A_204] : memref<50x4096x128xf32, #tpu.memory_space<hbm>> -> memref<1x128x128xf32, #tpu.memory_space<hbm>>
      %dma_start3A_206 = tpu.memref_squeeze %dma_start3A_205 : memref<1x128x128xf32, #tpu.memory_space<hbm>> -> memref<128x128xf32, #tpu.memory_space<hbm>>
      %dma_start3A_207 = arith.constant 0 : i32
      %dma_start3A_208 = arith.constant 0 : i32
      %dma_start3A_209 = tpu.memref_slice %arg6[%dma_start3A_196, %dma_start3A_207, %dma_start3A_208] : memref<5x128x128xf32, #tpu.memory_space<vmem>> -> memref<1x128x128xf32, #tpu.memory_space<vmem>>
      %dma_start3A_210 = tpu.memref_squeeze %dma_start3A_209 : memref<1x128x128xf32, #tpu.memory_space<vmem>> -> memref<128x128xf32, #tpu.memory_space<vmem>>
      tpu.enqueue_dma source(%dma_start3A_210 : memref<128x128xf32, #tpu.memory_space<vmem>>) target(%dma_start3A_206 : memref<128x128xf32, #tpu.memory_space<hbm>>) target_semaphore(%arg13 : memref<!tpu.dma_semaphore, #tpu.memory_space<semaphore_mem>>)
      %lt3A_211 = arith.constant 9 : i32
      %lt3A_212 = arith.cmpi slt, %scan3A_146, %lt3A_211 : i32
      %convert_element_type3A_213 = arith.extui %lt3A_212 : i1 to i32
      %cond3A_214 = arith.constant 0 : i32
      %cond3A_215 = arith.cmpi ne, %convert_element_type3A_213, %cond3A_214 : i32
      scf.if %cond3A_215 {
        %dma_wait3A_324 = arith.constant 1 : i32
        %dma_wait3A_325 = arith.constant 0 : i32
        %dma_wait3A_326 = arith.constant 0 : i32
        %dma_wait3A_327 = arith.constant 0 : i32
        %dma_wait3A_328 = tpu.memref_slice %arg6[%dma_wait3A_324, %dma_wait3A_326, %dma_wait3A_327] : memref<5x128x128xf32, #tpu.memory_space<vmem>> -> memref<1x128x128xf32, #tpu.memory_space<vmem>>
        %dma_wait3A_329 = tpu.memref_squeeze %dma_wait3A_328 : memref<1x128x128xf32, #tpu.memory_space<vmem>> -> memref<128x128xf32, #tpu.memory_space<vmem>>
        %dma_wait3A_330 = arith.constant 0 : i32
        %dma_wait3A_331 = tpu.memref_slice %arg4[%dma_wait3A_325, %mul3A_2, %dma_wait3A_330] : memref<50x4096x128xf32, #tpu.memory_space<hbm>> -> memref<1x128x128xf32, #tpu.memory_space<hbm>>
        %dma_wait3A_332 = tpu.memref_squeeze %dma_wait3A_331 : memref<1x128x128xf32, #tpu.memory_space<hbm>> -> memref<128x128xf32, #tpu.memory_space<hbm>>
        %dma_wait3A_333 = arith.constant 0 : i32
        %dma_wait3A_334 = tpu.memref_slice %arg4[%dma_wait3A_325, %mul3A_2, %dma_wait3A_333] : memref<50x4096x128xf32, #tpu.memory_space<hbm>> -> memref<1x128x128xf32, #tpu.memory_space<hbm>>
        %dma_wait3A_335 = tpu.memref_squeeze %dma_wait3A_334 : memref<1x128x128xf32, #tpu.memory_space<hbm>> -> memref<128x128xf32, #tpu.memory_space<hbm>>
        %dma_wait3A_336 = arith.constant 0 : i32
        %dma_wait3A_337 = arith.constant 0 : i32
        %dma_wait3A_338 = tpu.memref_slice %arg6[%dma_wait3A_324, %dma_wait3A_336, %dma_wait3A_337] : memref<5x128x128xf32, #tpu.memory_space<vmem>> -> memref<1x128x128xf32, #tpu.memory_space<vmem>>
        %dma_wait3A_339 = tpu.memref_squeeze %dma_wait3A_338 : memref<1x128x128xf32, #tpu.memory_space<vmem>> -> memref<128x128xf32, #tpu.memory_space<vmem>>
        tpu.wait_dma2 semaphore(%arg13 : memref<!tpu.dma_semaphore, #tpu.memory_space<semaphore_mem>>) src(%dma_wait3A_339 : memref<128x128xf32, #tpu.memory_space<vmem>>) dst(%dma_wait3A_335 : memref<128x128xf32, #tpu.memory_space<hbm>>)
        %add3A_340 = arith.constant 5 : i32
        %add3A_341 = arith.addi %add3A_183, %add3A_340 : i32
        %dma_start3A_342 = arith.constant 1 : i32
        %dma_start3A_343 = arith.constant 0 : i32
        %dma_start3A_344 = arith.constant 0 : i32
        %dma_start3A_345 = tpu.memref_slice %arg6[%dma_start3A_342, %dma_start3A_343, %dma_start3A_344] : memref<5x128x128xf32, #tpu.memory_space<vmem>> -> memref<1x128x128xf32, #tpu.memory_space<vmem>>
        %dma_start3A_346 = tpu.memref_squeeze %dma_start3A_345 : memref<1x128x128xf32, #tpu.memory_space<vmem>> -> memref<128x128xf32, #tpu.memory_space<vmem>>
        %dma_start3A_347 = arith.constant 0 : i32
        %dma_start3A_348 = tpu.memref_slice %arg5[%add3A_341, %dma_start3A_347] : memref<50x128xi32, #tpu.memory_space<vmem>> -> memref<1x128xi32, #tpu.memory_space<vmem>>
        %dma_start3A_349 = tpu.memref_squeeze %dma_start3A_348 : memref<1x128xi32, #tpu.memory_space<vmem>> -> memref<128xi32, #tpu.memory_space<vmem>>
        %dma_start3A_350 = arith.constant 0 : i32
        %dma_start3A_351 = arith.constant 0 : i32
        %dma_start3A_352 = tpu.memref_slice %arg3[%dma_start3A_350, %dma_start3A_351] : memref<100000x128xf32, #tpu.memory_space<hbm>> -> memref<100000x128xf32, #tpu.memory_space<hbm>>
        tpu.enqueue_indirect_dma source(%dma_start3A_352 : memref<100000x128xf32, #tpu.memory_space<hbm>>) target(%dma_start3A_346 : memref<128x128xf32, #tpu.memory_space<vmem>>) offsets(%dma_start3A_349 : memref<128xi32, #tpu.memory_space<vmem>>) semaphore(%arg8 : memref<!tpu.dma_semaphore, #tpu.memory_space<semaphore_mem>>)
      } else {
      }
      %mul3A_216 = arith.constant 5 : i32
      %mul3A_217 = arith.muli %scan3A_146, %mul3A_216 : i32
      %add3A_218 = arith.constant 2 : i32
      %add3A_219 = arith.addi %mul3A_217, %add3A_218 : i32
      %dma_wait3A_220 = arith.constant 0 : i32
      %dma_wait3A_221 = arith.constant 2 : i32
      %dma_wait3A_222 = arith.constant 0 : i32
      %dma_wait3A_223 = arith.constant 0 : i32
      %dma_wait3A_224 = tpu.memref_slice %arg6[%dma_wait3A_221, %dma_wait3A_222, %dma_wait3A_223] : memref<5x128x128xf32, #tpu.memory_space<vmem>> -> memref<1x128x128xf32, #tpu.memory_space<vmem>>
      %dma_wait3A_225 = tpu.memref_squeeze %dma_wait3A_224 : memref<1x128x128xf32, #tpu.memory_space<vmem>> -> memref<128x128xf32, #tpu.memory_space<vmem>>
      %dma_wait3A_226 = arith.constant 0 : i32
      %dma_wait3A_227 = tpu.memref_slice %arg5[%dma_wait3A_220, %dma_wait3A_226] : memref<50x128xi32, #tpu.memory_space<vmem>> -> memref<1x128xi32, #tpu.memory_space<vmem>>
      %dma_wait3A_228 = tpu.memref_squeeze %dma_wait3A_227 : memref<1x128xi32, #tpu.memory_space<vmem>> -> memref<128xi32, #tpu.memory_space<vmem>>
      %dma_wait3A_229 = arith.constant 0 : i32
      %dma_wait3A_230 = arith.constant 0 : i32
      %dma_wait3A_231 = tpu.memref_slice %arg3[%dma_wait3A_229, %dma_wait3A_230] : memref<100000x128xf32, #tpu.memory_space<hbm>> -> memref<100000x128xf32, #tpu.memory_space<hbm>>
      tpu.wait_indirect_dma semaphore(%arg9 : memref<!tpu.dma_semaphore, #tpu.memory_space<semaphore_mem>>) src(%dma_wait3A_231 : memref<100000x128xf32, #tpu.memory_space<hbm>>) dst(%dma_wait3A_225 : memref<128x128xf32, #tpu.memory_space<vmem>>)
      %dma_start3A_232 = arith.constant 2 : i32
      %dma_start3A_233 = arith.constant 0 : i32
      %dma_start3A_234 = arith.constant 0 : i32
      %dma_start3A_235 = tpu.memref_slice %arg6[%dma_start3A_232, %dma_start3A_233, %dma_start3A_234] : memref<5x128x128xf32, #tpu.memory_space<vmem>> -> memref<1x128x128xf32, #tpu.memory_space<vmem>>
      %dma_start3A_236 = tpu.memref_squeeze %dma_start3A_235 : memref<1x128x128xf32, #tpu.memory_space<vmem>> -> memref<128x128xf32, #tpu.memory_space<vmem>>
      %dma_start3A_237 = arith.constant 0 : i32
      %dma_start3A_238 = tpu.memref_slice %arg4[%add3A_219, %mul3A_2, %dma_start3A_237] : memref<50x4096x128xf32, #tpu.memory_space<hbm>> -> memref<1x128x128xf32, #tpu.memory_space<hbm>>
      %dma_start3A_239 = tpu.memref_squeeze %dma_start3A_238 : memref<1x128x128xf32, #tpu.memory_space<hbm>> -> memref<128x128xf32, #tpu.memory_space<hbm>>
      %dma_start3A_240 = arith.constant 0 : i32
      %dma_start3A_241 = tpu.memref_slice %arg4[%add3A_219, %mul3A_2, %dma_start3A_240] : memref<50x4096x128xf32, #tpu.memory_space<hbm>> -> memref<1x128x128xf32, #tpu.memory_space<hbm>>
      %dma_start3A_242 = tpu.memref_squeeze %dma_start3A_241 : memref<1x128x128xf32, #tpu.memory_space<hbm>> -> memref<128x128xf32, #tpu.memory_space<hbm>>
      %dma_start3A_243 = arith.constant 0 : i32
      %dma_start3A_244 = arith.constant 0 : i32
      %dma_start3A_245 = tpu.memref_slice %arg6[%dma_start3A_232, %dma_start3A_243, %dma_start3A_244] : memref<5x128x128xf32, #tpu.memory_space<vmem>> -> memref<1x128x128xf32, #tpu.memory_space<vmem>>
      %dma_start3A_246 = tpu.memref_squeeze %dma_start3A_245 : memref<1x128x128xf32, #tpu.memory_space<vmem>> -> memref<128x128xf32, #tpu.memory_space<vmem>>
      tpu.enqueue_dma source(%dma_start3A_246 : memref<128x128xf32, #tpu.memory_space<vmem>>) target(%dma_start3A_242 : memref<128x128xf32, #tpu.memory_space<hbm>>) target_semaphore(%arg14 : memref<!tpu.dma_semaphore, #tpu.memory_space<semaphore_mem>>)
      %lt3A_247 = arith.constant 9 : i32
      %lt3A_248 = arith.cmpi slt, %scan3A_146, %lt3A_247 : i32
      %convert_element_type3A_249 = arith.extui %lt3A_248 : i1 to i32
      %cond3A_250 = arith.constant 0 : i32
      %cond3A_251 = arith.cmpi ne, %convert_element_type3A_249, %cond3A_250 : i32
      scf.if %cond3A_251 {
        %dma_wait3A_324 = arith.constant 2 : i32
        %dma_wait3A_325 = arith.constant 0 : i32
        %dma_wait3A_326 = arith.constant 0 : i32
        %dma_wait3A_327 = arith.constant 0 : i32
        %dma_wait3A_328 = tpu.memref_slice %arg6[%dma_wait3A_324, %dma_wait3A_326, %dma_wait3A_327] : memref<5x128x128xf32, #tpu.memory_space<vmem>> -> memref<1x128x128xf32, #tpu.memory_space<vmem>>
        %dma_wait3A_329 = tpu.memref_squeeze %dma_wait3A_328 : memref<1x128x128xf32, #tpu.memory_space<vmem>> -> memref<128x128xf32, #tpu.memory_space<vmem>>
        %dma_wait3A_330 = arith.constant 0 : i32
        %dma_wait3A_331 = tpu.memref_slice %arg4[%dma_wait3A_325, %mul3A_2, %dma_wait3A_330] : memref<50x4096x128xf32, #tpu.memory_space<hbm>> -> memref<1x128x128xf32, #tpu.memory_space<hbm>>
        %dma_wait3A_332 = tpu.memref_squeeze %dma_wait3A_331 : memref<1x128x128xf32, #tpu.memory_space<hbm>> -> memref<128x128xf32, #tpu.memory_space<hbm>>
        %dma_wait3A_333 = arith.constant 0 : i32
        %dma_wait3A_334 = tpu.memref_slice %arg4[%dma_wait3A_325, %mul3A_2, %dma_wait3A_333] : memref<50x4096x128xf32, #tpu.memory_space<hbm>> -> memref<1x128x128xf32, #tpu.memory_space<hbm>>
        %dma_wait3A_335 = tpu.memref_squeeze %dma_wait3A_334 : memref<1x128x128xf32, #tpu.memory_space<hbm>> -> memref<128x128xf32, #tpu.memory_space<hbm>>
        %dma_wait3A_336 = arith.constant 0 : i32
        %dma_wait3A_337 = arith.constant 0 : i32
        %dma_wait3A_338 = tpu.memref_slice %arg6[%dma_wait3A_324, %dma_wait3A_336, %dma_wait3A_337] : memref<5x128x128xf32, #tpu.memory_space<vmem>> -> memref<1x128x128xf32, #tpu.memory_space<vmem>>
        %dma_wait3A_339 = tpu.memref_squeeze %dma_wait3A_338 : memref<1x128x128xf32, #tpu.memory_space<vmem>> -> memref<128x128xf32, #tpu.memory_space<vmem>>
        tpu.wait_dma2 semaphore(%arg14 : memref<!tpu.dma_semaphore, #tpu.memory_space<semaphore_mem>>) src(%dma_wait3A_339 : memref<128x128xf32, #tpu.memory_space<vmem>>) dst(%dma_wait3A_335 : memref<128x128xf32, #tpu.memory_space<hbm>>)
        %add3A_340 = arith.constant 5 : i32
        %add3A_341 = arith.addi %add3A_219, %add3A_340 : i32
        %dma_start3A_342 = arith.constant 2 : i32
        %dma_start3A_343 = arith.constant 0 : i32
        %dma_start3A_344 = arith.constant 0 : i32
        %dma_start3A_345 = tpu.memref_slice %arg6[%dma_start3A_342, %dma_start3A_343, %dma_start3A_344] : memref<5x128x128xf32, #tpu.memory_space<vmem>> -> memref<1x128x128xf32, #tpu.memory_space<vmem>>
        %dma_start3A_346 = tpu.memref_squeeze %dma_start3A_345 : memref<1x128x128xf32, #tpu.memory_space<vmem>> -> memref<128x128xf32, #tpu.memory_space<vmem>>
        %dma_start3A_347 = arith.constant 0 : i32
        %dma_start3A_348 = tpu.memref_slice %arg5[%add3A_341, %dma_start3A_347] : memref<50x128xi32, #tpu.memory_space<vmem>> -> memref<1x128xi32, #tpu.memory_space<vmem>>
        %dma_start3A_349 = tpu.memref_squeeze %dma_start3A_348 : memref<1x128xi32, #tpu.memory_space<vmem>> -> memref<128xi32, #tpu.memory_space<vmem>>
        %dma_start3A_350 = arith.constant 0 : i32
        %dma_start3A_351 = arith.constant 0 : i32
        %dma_start3A_352 = tpu.memref_slice %arg3[%dma_start3A_350, %dma_start3A_351] : memref<100000x128xf32, #tpu.memory_space<hbm>> -> memref<100000x128xf32, #tpu.memory_space<hbm>>
        tpu.enqueue_indirect_dma source(%dma_start3A_352 : memref<100000x128xf32, #tpu.memory_space<hbm>>) target(%dma_start3A_346 : memref<128x128xf32, #tpu.memory_space<vmem>>) offsets(%dma_start3A_349 : memref<128xi32, #tpu.memory_space<vmem>>) semaphore(%arg9 : memref<!tpu.dma_semaphore, #tpu.memory_space<semaphore_mem>>)
      } else {
      }
      %mul3A_252 = arith.constant 5 : i32
      %mul3A_253 = arith.muli %scan3A_146, %mul3A_252 : i32
      %add3A_254 = arith.constant 3 : i32
      %add3A_255 = arith.addi %mul3A_253, %add3A_254 : i32
      %dma_wait3A_256 = arith.constant 0 : i32
      %dma_wait3A_257 = arith.constant 3 : i32
      %dma_wait3A_258 = arith.constant 0 : i32
      %dma_wait3A_259 = arith.constant 0 : i32
      %dma_wait3A_260 = tpu.memref_slice %arg6[%dma_wait3A_257, %dma_wait3A_258, %dma_wait3A_259] : memref<5x128x128xf32, #tpu.memory_space<vmem>> -> memref<1x128x128xf32, #tpu.memory_space<vmem>>
      %dma_wait3A_261 = tpu.memref_squeeze %dma_wait3A_260 : memref<1x128x128xf32, #tpu.memory_space<vmem>> -> memref<128x128xf32, #tpu.memory_space<vmem>>
      %dma_wait3A_262 = arith.constant 0 : i32
      %dma_wait3A_263 = tpu.memref_slice %arg5[%dma_wait3A_256, %dma_wait3A_262] : memref<50x128xi32, #tpu.memory_space<vmem>> -> memref<1x128xi32, #tpu.memory_space<vmem>>
      %dma_wait3A_264 = tpu.memref_squeeze %dma_wait3A_263 : memref<1x128xi32, #tpu.memory_space<vmem>> -> memref<128xi32, #tpu.memory_space<vmem>>
      %dma_wait3A_265 = arith.constant 0 : i32
      %dma_wait3A_266 = arith.constant 0 : i32
      %dma_wait3A_267 = tpu.memref_slice %arg3[%dma_wait3A_265, %dma_wait3A_266] : memref<100000x128xf32, #tpu.memory_space<hbm>> -> memref<100000x128xf32, #tpu.memory_space<hbm>>
      tpu.wait_indirect_dma semaphore(%arg10 : memref<!tpu.dma_semaphore, #tpu.memory_space<semaphore_mem>>) src(%dma_wait3A_267 : memref<100000x128xf32, #tpu.memory_space<hbm>>) dst(%dma_wait3A_261 : memref<128x128xf32, #tpu.memory_space<vmem>>)
      %dma_start3A_268 = arith.constant 3 : i32
      %dma_start3A_269 = arith.constant 0 : i32
      %dma_start3A_270 = arith.constant 0 : i32
      %dma_start3A_271 = tpu.memref_slice %arg6[%dma_start3A_268, %dma_start3A_269, %dma_start3A_270] : memref<5x128x128xf32, #tpu.memory_space<vmem>> -> memref<1x128x128xf32, #tpu.memory_space<vmem>>
      %dma_start3A_272 = tpu.memref_squeeze %dma_start3A_271 : memref<1x128x128xf32, #tpu.memory_space<vmem>> -> memref<128x128xf32, #tpu.memory_space<vmem>>
      %dma_start3A_273 = arith.constant 0 : i32
      %dma_start3A_274 = tpu.memref_slice %arg4[%add3A_255, %mul3A_2, %dma_start3A_273] : memref<50x4096x128xf32, #tpu.memory_space<hbm>> -> memref<1x128x128xf32, #tpu.memory_space<hbm>>
      %dma_start3A_275 = tpu.memref_squeeze %dma_start3A_274 : memref<1x128x128xf32, #tpu.memory_space<hbm>> -> memref<128x128xf32, #tpu.memory_space<hbm>>
      %dma_start3A_276 = arith.constant 0 : i32
      %dma_start3A_277 = tpu.memref_slice %arg4[%add3A_255, %mul3A_2, %dma_start3A_276] : memref<50x4096x128xf32, #tpu.memory_space<hbm>> -> memref<1x128x128xf32, #tpu.memory_space<hbm>>
      %dma_start3A_278 = tpu.memref_squeeze %dma_start3A_277 : memref<1x128x128xf32, #tpu.memory_space<hbm>> -> memref<128x128xf32, #tpu.memory_space<hbm>>
      %dma_start3A_279 = arith.constant 0 : i32
      %dma_start3A_280 = arith.constant 0 : i32
      %dma_start3A_281 = tpu.memref_slice %arg6[%dma_start3A_268, %dma_start3A_279, %dma_start3A_280] : memref<5x128x128xf32, #tpu.memory_space<vmem>> -> memref<1x128x128xf32, #tpu.memory_space<vmem>>
      %dma_start3A_282 = tpu.memref_squeeze %dma_start3A_281 : memref<1x128x128xf32, #tpu.memory_space<vmem>> -> memref<128x128xf32, #tpu.memory_space<vmem>>
      tpu.enqueue_dma source(%dma_start3A_282 : memref<128x128xf32, #tpu.memory_space<vmem>>) target(%dma_start3A_278 : memref<128x128xf32, #tpu.memory_space<hbm>>) target_semaphore(%arg15 : memref<!tpu.dma_semaphore, #tpu.memory_space<semaphore_mem>>)
      %lt3A_283 = arith.constant 9 : i32
      %lt3A_284 = arith.cmpi slt, %scan3A_146, %lt3A_283 : i32
      %convert_element_type3A_285 = arith.extui %lt3A_284 : i1 to i32
      %cond3A_286 = arith.constant 0 : i32
      %cond3A_287 = arith.cmpi ne, %convert_element_type3A_285, %cond3A_286 : i32
      scf.if %cond3A_287 {
        %dma_wait3A_324 = arith.constant 3 : i32
        %dma_wait3A_325 = arith.constant 0 : i32
        %dma_wait3A_326 = arith.constant 0 : i32
        %dma_wait3A_327 = arith.constant 0 : i32
        %dma_wait3A_328 = tpu.memref_slice %arg6[%dma_wait3A_324, %dma_wait3A_326, %dma_wait3A_327] : memref<5x128x128xf32, #tpu.memory_space<vmem>> -> memref<1x128x128xf32, #tpu.memory_space<vmem>>
        %dma_wait3A_329 = tpu.memref_squeeze %dma_wait3A_328 : memref<1x128x128xf32, #tpu.memory_space<vmem>> -> memref<128x128xf32, #tpu.memory_space<vmem>>
        %dma_wait3A_330 = arith.constant 0 : i32
        %dma_wait3A_331 = tpu.memref_slice %arg4[%dma_wait3A_325, %mul3A_2, %dma_wait3A_330] : memref<50x4096x128xf32, #tpu.memory_space<hbm>> -> memref<1x128x128xf32, #tpu.memory_space<hbm>>
        %dma_wait3A_332 = tpu.memref_squeeze %dma_wait3A_331 : memref<1x128x128xf32, #tpu.memory_space<hbm>> -> memref<128x128xf32, #tpu.memory_space<hbm>>
        %dma_wait3A_333 = arith.constant 0 : i32
        %dma_wait3A_334 = tpu.memref_slice %arg4[%dma_wait3A_325, %mul3A_2, %dma_wait3A_333] : memref<50x4096x128xf32, #tpu.memory_space<hbm>> -> memref<1x128x128xf32, #tpu.memory_space<hbm>>
        %dma_wait3A_335 = tpu.memref_squeeze %dma_wait3A_334 : memref<1x128x128xf32, #tpu.memory_space<hbm>> -> memref<128x128xf32, #tpu.memory_space<hbm>>
        %dma_wait3A_336 = arith.constant 0 : i32
        %dma_wait3A_337 = arith.constant 0 : i32
        %dma_wait3A_338 = tpu.memref_slice %arg6[%dma_wait3A_324, %dma_wait3A_336, %dma_wait3A_337] : memref<5x128x128xf32, #tpu.memory_space<vmem>> -> memref<1x128x128xf32, #tpu.memory_space<vmem>>
        %dma_wait3A_339 = tpu.memref_squeeze %dma_wait3A_338 : memref<1x128x128xf32, #tpu.memory_space<vmem>> -> memref<128x128xf32, #tpu.memory_space<vmem>>
        tpu.wait_dma2 semaphore(%arg15 : memref<!tpu.dma_semaphore, #tpu.memory_space<semaphore_mem>>) src(%dma_wait3A_339 : memref<128x128xf32, #tpu.memory_space<vmem>>) dst(%dma_wait3A_335 : memref<128x128xf32, #tpu.memory_space<hbm>>)
        %add3A_340 = arith.constant 5 : i32
        %add3A_341 = arith.addi %add3A_255, %add3A_340 : i32
        %dma_start3A_342 = arith.constant 3 : i32
        %dma_start3A_343 = arith.constant 0 : i32
        %dma_start3A_344 = arith.constant 0 : i32
        %dma_start3A_345 = tpu.memref_slice %arg6[%dma_start3A_342, %dma_start3A_343, %dma_start3A_344] : memref<5x128x128xf32, #tpu.memory_space<vmem>> -> memref<1x128x128xf32, #tpu.memory_space<vmem>>
        %dma_start3A_346 = tpu.memref_squeeze %dma_start3A_345 : memref<1x128x128xf32, #tpu.memory_space<vmem>> -> memref<128x128xf32, #tpu.memory_space<vmem>>
        %dma_start3A_347 = arith.constant 0 : i32
        %dma_start3A_348 = tpu.memref_slice %arg5[%add3A_341, %dma_start3A_347] : memref<50x128xi32, #tpu.memory_space<vmem>> -> memref<1x128xi32, #tpu.memory_space<vmem>>
        %dma_start3A_349 = tpu.memref_squeeze %dma_start3A_348 : memref<1x128xi32, #tpu.memory_space<vmem>> -> memref<128xi32, #tpu.memory_space<vmem>>
        %dma_start3A_350 = arith.constant 0 : i32
        %dma_start3A_351 = arith.constant 0 : i32
        %dma_start3A_352 = tpu.memref_slice %arg3[%dma_start3A_350, %dma_start3A_351] : memref<100000x128xf32, #tpu.memory_space<hbm>> -> memref<100000x128xf32, #tpu.memory_space<hbm>>
        tpu.enqueue_indirect_dma source(%dma_start3A_352 : memref<100000x128xf32, #tpu.memory_space<hbm>>) target(%dma_start3A_346 : memref<128x128xf32, #tpu.memory_space<vmem>>) offsets(%dma_start3A_349 : memref<128xi32, #tpu.memory_space<vmem>>) semaphore(%arg10 : memref<!tpu.dma_semaphore, #tpu.memory_space<semaphore_mem>>)
      } else {
      }
      %mul3A_288 = arith.constant 5 : i32
      %mul3A_289 = arith.muli %scan3A_146, %mul3A_288 : i32
      %add3A_290 = arith.constant 4 : i32
      %add3A_291 = arith.addi %mul3A_289, %add3A_290 : i32
      %dma_wait3A_292 = arith.constant 0 : i32
      %dma_wait3A_293 = arith.constant 4 : i32
      %dma_wait3A_294 = arith.constant 0 : i32
      %dma_wait3A_295 = arith.constant 0 : i32
      %dma_wait3A_296 = tpu.memref_slice %arg6[%dma_wait3A_293, %dma_wait3A_294, %dma_wait3A_295] : memref<5x128x128xf32, #tpu.memory_space<vmem>> -> memref<1x128x128xf32, #tpu.memory_space<vmem>>
      %dma_wait3A_297 = tpu.memref_squeeze %dma_wait3A_296 : memref<1x128x128xf32, #tpu.memory_space<vmem>> -> memref<128x128xf32, #tpu.memory_space<vmem>>
      %dma_wait3A_298 = arith.constant 0 : i32
      %dma_wait3A_299 = tpu.memref_slice %arg5[%dma_wait3A_292, %dma_wait3A_298] : memref<50x128xi32, #tpu.memory_space<vmem>> -> memref<1x128xi32, #tpu.memory_space<vmem>>
      %dma_wait3A_300 = tpu.memref_squeeze %dma_wait3A_299 : memref<1x128xi32, #tpu.memory_space<vmem>> -> memref<128xi32, #tpu.memory_space<vmem>>
      %dma_wait3A_301 = arith.constant 0 : i32
      %dma_wait3A_302 = arith.constant 0 : i32
      %dma_wait3A_303 = tpu.memref_slice %arg3[%dma_wait3A_301, %dma_wait3A_302] : memref<100000x128xf32, #tpu.memory_space<hbm>> -> memref<100000x128xf32, #tpu.memory_space<hbm>>
      tpu.wait_indirect_dma semaphore(%arg11 : memref<!tpu.dma_semaphore, #tpu.memory_space<semaphore_mem>>) src(%dma_wait3A_303 : memref<100000x128xf32, #tpu.memory_space<hbm>>) dst(%dma_wait3A_297 : memref<128x128xf32, #tpu.memory_space<vmem>>)
      %dma_start3A_304 = arith.constant 4 : i32
      %dma_start3A_305 = arith.constant 0 : i32
      %dma_start3A_306 = arith.constant 0 : i32
      %dma_start3A_307 = tpu.memref_slice %arg6[%dma_start3A_304, %dma_start3A_305, %dma_start3A_306] : memref<5x128x128xf32, #tpu.memory_space<vmem>> -> memref<1x128x128xf32, #tpu.memory_space<vmem>>
      %dma_start3A_308 = tpu.memref_squeeze %dma_start3A_307 : memref<1x128x128xf32, #tpu.memory_space<vmem>> -> memref<128x128xf32, #tpu.memory_space<vmem>>
      %dma_start3A_309 = arith.constant 0 : i32
      %dma_start3A_310 = tpu.memref_slice %arg4[%add3A_291, %mul3A_2, %dma_start3A_309] : memref<50x4096x128xf32, #tpu.memory_space<hbm>> -> memref<1x128x128xf32, #tpu.memory_space<hbm>>
      %dma_start3A_311 = tpu.memref_squeeze %dma_start3A_310 : memref<1x128x128xf32, #tpu.memory_space<hbm>> -> memref<128x128xf32, #tpu.memory_space<hbm>>
      %dma_start3A_312 = arith.constant 0 : i32
      %dma_start3A_313 = tpu.memref_slice %arg4[%add3A_291, %mul3A_2, %dma_start3A_312] : memref<50x4096x128xf32, #tpu.memory_space<hbm>> -> memref<1x128x128xf32, #tpu.memory_space<hbm>>
      %dma_start3A_314 = tpu.memref_squeeze %dma_start3A_313 : memref<1x128x128xf32, #tpu.memory_space<hbm>> -> memref<128x128xf32, #tpu.memory_space<hbm>>
      %dma_start3A_315 = arith.constant 0 : i32
      %dma_start3A_316 = arith.constant 0 : i32
      %dma_start3A_317 = tpu.memref_slice %arg6[%dma_start3A_304, %dma_start3A_315, %dma_start3A_316] : memref<5x128x128xf32, #tpu.memory_space<vmem>> -> memref<1x128x128xf32, #tpu.memory_space<vmem>>
      %dma_start3A_318 = tpu.memref_squeeze %dma_start3A_317 : memref<1x128x128xf32, #tpu.memory_space<vmem>> -> memref<128x128xf32, #tpu.memory_space<vmem>>
      tpu.enqueue_dma source(%dma_start3A_318 : memref<128x128xf32, #tpu.memory_space<vmem>>) target(%dma_start3A_314 : memref<128x128xf32, #tpu.memory_space<hbm>>) target_semaphore(%arg16 : memref<!tpu.dma_semaphore, #tpu.memory_space<semaphore_mem>>)
      %lt3A_319 = arith.constant 9 : i32
      %lt3A_320 = arith.cmpi slt, %scan3A_146, %lt3A_319 : i32
      %convert_element_type3A_321 = arith.extui %lt3A_320 : i1 to i32
      %cond3A_322 = arith.constant 0 : i32
      %cond3A_323 = arith.cmpi ne, %convert_element_type3A_321, %cond3A_322 : i32
      scf.if %cond3A_323 {
        %dma_wait3A_324 = arith.constant 4 : i32
        %dma_wait3A_325 = arith.constant 0 : i32
        %dma_wait3A_326 = arith.constant 0 : i32
        %dma_wait3A_327 = arith.constant 0 : i32
        %dma_wait3A_328 = tpu.memref_slice %arg6[%dma_wait3A_324, %dma_wait3A_326, %dma_wait3A_327] : memref<5x128x128xf32, #tpu.memory_space<vmem>> -> memref<1x128x128xf32, #tpu.memory_space<vmem>>
        %dma_wait3A_329 = tpu.memref_squeeze %dma_wait3A_328 : memref<1x128x128xf32, #tpu.memory_space<vmem>> -> memref<128x128xf32, #tpu.memory_space<vmem>>
        %dma_wait3A_330 = arith.constant 0 : i32
        %dma_wait3A_331 = tpu.memref_slice %arg4[%dma_wait3A_325, %mul3A_2, %dma_wait3A_330] : memref<50x4096x128xf32, #tpu.memory_space<hbm>> -> memref<1x128x128xf32, #tpu.memory_space<hbm>>
        %dma_wait3A_332 = tpu.memref_squeeze %dma_wait3A_331 : memref<1x128x128xf32, #tpu.memory_space<hbm>> -> memref<128x128xf32, #tpu.memory_space<hbm>>
        %dma_wait3A_333 = arith.constant 0 : i32
        %dma_wait3A_334 = tpu.memref_slice %arg4[%dma_wait3A_325, %mul3A_2, %dma_wait3A_333] : memref<50x4096x128xf32, #tpu.memory_space<hbm>> -> memref<1x128x128xf32, #tpu.memory_space<hbm>>
        %dma_wait3A_335 = tpu.memref_squeeze %dma_wait3A_334 : memref<1x128x128xf32, #tpu.memory_space<hbm>> -> memref<128x128xf32, #tpu.memory_space<hbm>>
        %dma_wait3A_336 = arith.constant 0 : i32
        %dma_wait3A_337 = arith.constant 0 : i32
        %dma_wait3A_338 = tpu.memref_slice %arg6[%dma_wait3A_324, %dma_wait3A_336, %dma_wait3A_337] : memref<5x128x128xf32, #tpu.memory_space<vmem>> -> memref<1x128x128xf32, #tpu.memory_space<vmem>>
        %dma_wait3A_339 = tpu.memref_squeeze %dma_wait3A_338 : memref<1x128x128xf32, #tpu.memory_space<vmem>> -> memref<128x128xf32, #tpu.memory_space<vmem>>
        tpu.wait_dma2 semaphore(%arg16 : memref<!tpu.dma_semaphore, #tpu.memory_space<semaphore_mem>>) src(%dma_wait3A_339 : memref<128x128xf32, #tpu.memory_space<vmem>>) dst(%dma_wait3A_335 : memref<128x128xf32, #tpu.memory_space<hbm>>)
        %add3A_340 = arith.constant 5 : i32
        %add3A_341 = arith.addi %add3A_291, %add3A_340 : i32
        %dma_start3A_342 = arith.constant 4 : i32
        %dma_start3A_343 = arith.constant 0 : i32
        %dma_start3A_344 = arith.constant 0 : i32
        %dma_start3A_345 = tpu.memref_slice %arg6[%dma_start3A_342, %dma_start3A_343, %dma_start3A_344] : memref<5x128x128xf32, #tpu.memory_space<vmem>> -> memref<1x128x128xf32, #tpu.memory_space<vmem>>
        %dma_start3A_346 = tpu.memref_squeeze %dma_start3A_345 : memref<1x128x128xf32, #tpu.memory_space<vmem>> -> memref<128x128xf32, #tpu.memory_space<vmem>>
        %dma_start3A_347 = arith.constant 0 : i32
        %dma_start3A_348 = tpu.memref_slice %arg5[%add3A_341, %dma_start3A_347] : memref<50x128xi32, #tpu.memory_space<vmem>> -> memref<1x128xi32, #tpu.memory_space<vmem>>
        %dma_start3A_349 = tpu.memref_squeeze %dma_start3A_348 : memref<1x128xi32, #tpu.memory_space<vmem>> -> memref<128xi32, #tpu.memory_space<vmem>>
        %dma_start3A_350 = arith.constant 0 : i32
        %dma_start3A_351 = arith.constant 0 : i32
        %dma_start3A_352 = tpu.memref_slice %arg3[%dma_start3A_350, %dma_start3A_351] : memref<100000x128xf32, #tpu.memory_space<hbm>> -> memref<100000x128xf32, #tpu.memory_space<hbm>>
        tpu.enqueue_indirect_dma source(%dma_start3A_352 : memref<100000x128xf32, #tpu.memory_space<hbm>>) target(%dma_start3A_346 : memref<128x128xf32, #tpu.memory_space<vmem>>) offsets(%dma_start3A_349 : memref<128xi32, #tpu.memory_space<vmem>>) semaphore(%arg11 : memref<!tpu.dma_semaphore, #tpu.memory_space<semaphore_mem>>)
      } else {
      }
    }
    %scan3A_66 = arith.constant 10 : i32
    %dma_wait3A = arith.constant 0 : i32
    %dma_wait3A_67 = arith.constant 0 : i32
    %dma_wait3A_68 = arith.constant 0 : i32
    %dma_wait3A_69 = arith.constant 0 : i32
    %dma_wait3A_70 = tpu.memref_slice %arg6[%dma_wait3A, %dma_wait3A_68, %dma_wait3A_69] : memref<5x128x128xf32, #tpu.memory_space<vmem>> -> memref<1x128x128xf32, #tpu.memory_space<vmem>>
    %dma_wait3A_71 = tpu.memref_squeeze %dma_wait3A_70 : memref<1x128x128xf32, #tpu.memory_space<vmem>> -> memref<128x128xf32, #tpu.memory_space<vmem>>
    %dma_wait3A_72 = arith.constant 0 : i32
    %dma_wait3A_73 = tpu.memref_slice %arg4[%dma_wait3A_67, %mul3A_2, %dma_wait3A_72] : memref<50x4096x128xf32, #tpu.memory_space<hbm>> -> memref<1x128x128xf32, #tpu.memory_space<hbm>>
    %dma_wait3A_74 = tpu.memref_squeeze %dma_wait3A_73 : memref<1x128x128xf32, #tpu.memory_space<hbm>> -> memref<128x128xf32, #tpu.memory_space<hbm>>
    %dma_wait3A_75 = arith.constant 0 : i32
    %dma_wait3A_76 = tpu.memref_slice %arg4[%dma_wait3A_67, %mul3A_2, %dma_wait3A_75] : memref<50x4096x128xf32, #tpu.memory_space<hbm>> -> memref<1x128x128xf32, #tpu.memory_space<hbm>>
    %dma_wait3A_77 = tpu.memref_squeeze %dma_wait3A_76 : memref<1x128x128xf32, #tpu.memory_space<hbm>> -> memref<128x128xf32, #tpu.memory_space<hbm>>
    %dma_wait3A_78 = arith.constant 0 : i32
    %dma_wait3A_79 = arith.constant 0 : i32
    %dma_wait3A_80 = tpu.memref_slice %arg6[%dma_wait3A, %dma_wait3A_78, %dma_wait3A_79] : memref<5x128x128xf32, #tpu.memory_space<vmem>> -> memref<1x128x128xf32, #tpu.memory_space<vmem>>
    %dma_wait3A_81 = tpu.memref_squeeze %dma_wait3A_80 : memref<1x128x128xf32, #tpu.memory_space<vmem>> -> memref<128x128xf32, #tpu.memory_space<vmem>>
    tpu.wait_dma2 semaphore(%arg12 : memref<!tpu.dma_semaphore, #tpu.memory_space<semaphore_mem>>) src(%dma_wait3A_81 : memref<128x128xf32, #tpu.memory_space<vmem>>) dst(%dma_wait3A_77 : memref<128x128xf32, #tpu.memory_space<hbm>>)
    %dma_wait3A_82 = arith.constant 1 : i32
    %dma_wait3A_83 = arith.constant 0 : i32
    %dma_wait3A_84 = arith.constant 0 : i32
    %dma_wait3A_85 = arith.constant 0 : i32
    %dma_wait3A_86 = tpu.memref_slice %arg6[%dma_wait3A_82, %dma_wait3A_84, %dma_wait3A_85] : memref<5x128x128xf32, #tpu.memory_space<vmem>> -> memref<1x128x128xf32, #tpu.memory_space<vmem>>
    %dma_wait3A_87 = tpu.memref_squeeze %dma_wait3A_86 : memref<1x128x128xf32, #tpu.memory_space<vmem>> -> memref<128x128xf32, #tpu.memory_space<vmem>>
    %dma_wait3A_88 = arith.constant 0 : i32
    %dma_wait3A_89 = tpu.memref_slice %arg4[%dma_wait3A_83, %mul3A_2, %dma_wait3A_88] : memref<50x4096x128xf32, #tpu.memory_space<hbm>> -> memref<1x128x128xf32, #tpu.memory_space<hbm>>
    %dma_wait3A_90 = tpu.memref_squeeze %dma_wait3A_89 : memref<1x128x128xf32, #tpu.memory_space<hbm>> -> memref<128x128xf32, #tpu.memory_space<hbm>>
    %dma_wait3A_91 = arith.constant 0 : i32
    %dma_wait3A_92 = tpu.memref_slice %arg4[%dma_wait3A_83, %mul3A_2, %dma_wait3A_91] : memref<50x4096x128xf32, #tpu.memory_space<hbm>> -> memref<1x128x128xf32, #tpu.memory_space<hbm>>
    %dma_wait3A_93 = tpu.memref_squeeze %dma_wait3A_92 : memref<1x128x128xf32, #tpu.memory_space<hbm>> -> memref<128x128xf32, #tpu.memory_space<hbm>>
    %dma_wait3A_94 = arith.constant 0 : i32
    %dma_wait3A_95 = arith.constant 0 : i32
    %dma_wait3A_96 = tpu.memref_slice %arg6[%dma_wait3A_82, %dma_wait3A_94, %dma_wait3A_95] : memref<5x128x128xf32, #tpu.memory_space<vmem>> -> memref<1x128x128xf32, #tpu.memory_space<vmem>>
    %dma_wait3A_97 = tpu.memref_squeeze %dma_wait3A_96 : memref<1x128x128xf32, #tpu.memory_space<vmem>> -> memref<128x128xf32, #tpu.memory_space<vmem>>
    tpu.wait_dma2 semaphore(%arg13 : memref<!tpu.dma_semaphore, #tpu.memory_space<semaphore_mem>>) src(%dma_wait3A_97 : memref<128x128xf32, #tpu.memory_space<vmem>>) dst(%dma_wait3A_93 : memref<128x128xf32, #tpu.memory_space<hbm>>)
    %dma_wait3A_98 = arith.constant 2 : i32
    %dma_wait3A_99 = arith.constant 0 : i32
    %dma_wait3A_100 = arith.constant 0 : i32
    %dma_wait3A_101 = arith.constant 0 : i32
    %dma_wait3A_102 = tpu.memref_slice %arg6[%dma_wait3A_98, %dma_wait3A_100, %dma_wait3A_101] : memref<5x128x128xf32, #tpu.memory_space<vmem>> -> memref<1x128x128xf32, #tpu.memory_space<vmem>>
    %dma_wait3A_103 = tpu.memref_squeeze %dma_wait3A_102 : memref<1x128x128xf32, #tpu.memory_space<vmem>> -> memref<128x128xf32, #tpu.memory_space<vmem>>
    %dma_wait3A_104 = arith.constant 0 : i32
    %dma_wait3A_105 = tpu.memref_slice %arg4[%dma_wait3A_99, %mul3A_2, %dma_wait3A_104] : memref<50x4096x128xf32, #tpu.memory_space<hbm>> -> memref<1x128x128xf32, #tpu.memory_space<hbm>>
    %dma_wait3A_106 = tpu.memref_squeeze %dma_wait3A_105 : memref<1x128x128xf32, #tpu.memory_space<hbm>> -> memref<128x128xf32, #tpu.memory_space<hbm>>
    %dma_wait3A_107 = arith.constant 0 : i32
    %dma_wait3A_108 = tpu.memref_slice %arg4[%dma_wait3A_99, %mul3A_2, %dma_wait3A_107] : memref<50x4096x128xf32, #tpu.memory_space<hbm>> -> memref<1x128x128xf32, #tpu.memory_space<hbm>>
    %dma_wait3A_109 = tpu.memref_squeeze %dma_wait3A_108 : memref<1x128x128xf32, #tpu.memory_space<hbm>> -> memref<128x128xf32, #tpu.memory_space<hbm>>
    %dma_wait3A_110 = arith.constant 0 : i32
    %dma_wait3A_111 = arith.constant 0 : i32
    %dma_wait3A_112 = tpu.memref_slice %arg6[%dma_wait3A_98, %dma_wait3A_110, %dma_wait3A_111] : memref<5x128x128xf32, #tpu.memory_space<vmem>> -> memref<1x128x128xf32, #tpu.memory_space<vmem>>
    %dma_wait3A_113 = tpu.memref_squeeze %dma_wait3A_112 : memref<1x128x128xf32, #tpu.memory_space<vmem>> -> memref<128x128xf32, #tpu.memory_space<vmem>>
    tpu.wait_dma2 semaphore(%arg14 : memref<!tpu.dma_semaphore, #tpu.memory_space<semaphore_mem>>) src(%dma_wait3A_113 : memref<128x128xf32, #tpu.memory_space<vmem>>) dst(%dma_wait3A_109 : memref<128x128xf32, #tpu.memory_space<hbm>>)
    %dma_wait3A_114 = arith.constant 3 : i32
    %dma_wait3A_115 = arith.constant 0 : i32
    %dma_wait3A_116 = arith.constant 0 : i32
    %dma_wait3A_117 = arith.constant 0 : i32
    %dma_wait3A_118 = tpu.memref_slice %arg6[%dma_wait3A_114, %dma_wait3A_116, %dma_wait3A_117] : memref<5x128x128xf32, #tpu.memory_space<vmem>> -> memref<1x128x128xf32, #tpu.memory_space<vmem>>
    %dma_wait3A_119 = tpu.memref_squeeze %dma_wait3A_118 : memref<1x128x128xf32, #tpu.memory_space<vmem>> -> memref<128x128xf32, #tpu.memory_space<vmem>>
    %dma_wait3A_120 = arith.constant 0 : i32
    %dma_wait3A_121 = tpu.memref_slice %arg4[%dma_wait3A_115, %mul3A_2, %dma_wait3A_120] : memref<50x4096x128xf32, #tpu.memory_space<hbm>> -> memref<1x128x128xf32, #tpu.memory_space<hbm>>
    %dma_wait3A_122 = tpu.memref_squeeze %dma_wait3A_121 : memref<1x128x128xf32, #tpu.memory_space<hbm>> -> memref<128x128xf32, #tpu.memory_space<hbm>>
    %dma_wait3A_123 = arith.constant 0 : i32
    %dma_wait3A_124 = tpu.memref_slice %arg4[%dma_wait3A_115, %mul3A_2, %dma_wait3A_123] : memref<50x4096x128xf32, #tpu.memory_space<hbm>> -> memref<1x128x128xf32, #tpu.memory_space<hbm>>
    %dma_wait3A_125 = tpu.memref_squeeze %dma_wait3A_124 : memref<1x128x128xf32, #tpu.memory_space<hbm>> -> memref<128x128xf32, #tpu.memory_space<hbm>>
    %dma_wait3A_126 = arith.constant 0 : i32
    %dma_wait3A_127 = arith.constant 0 : i32
    %dma_wait3A_128 = tpu.memref_slice %arg6[%dma_wait3A_114, %dma_wait3A_126, %dma_wait3A_127] : memref<5x128x128xf32, #tpu.memory_space<vmem>> -> memref<1x128x128xf32, #tpu.memory_space<vmem>>
    %dma_wait3A_129 = tpu.memref_squeeze %dma_wait3A_128 : memref<1x128x128xf32, #tpu.memory_space<vmem>> -> memref<128x128xf32, #tpu.memory_space<vmem>>
    tpu.wait_dma2 semaphore(%arg15 : memref<!tpu.dma_semaphore, #tpu.memory_space<semaphore_mem>>) src(%dma_wait3A_129 : memref<128x128xf32, #tpu.memory_space<vmem>>) dst(%dma_wait3A_125 : memref<128x128xf32, #tpu.memory_space<hbm>>)
    %dma_wait3A_130 = arith.constant 4 : i32
    %dma_wait3A_131 = arith.constant 0 : i32
    %dma_wait3A_132 = arith.constant 0 : i32
    %dma_wait3A_133 = arith.constant 0 : i32
    %dma_wait3A_134 = tpu.memref_slice %arg6[%dma_wait3A_130, %dma_wait3A_132, %dma_wait3A_133] : memref<5x128x128xf32, #tpu.memory_space<vmem>> -> memref<1x128x128xf32, #tpu.memory_space<vmem>>
    %dma_wait3A_135 = tpu.memref_squeeze %dma_wait3A_134 : memref<1x128x128xf32, #tpu.memory_space<vmem>> -> memref<128x128xf32, #tpu.memory_space<vmem>>
    %dma_wait3A_136 = arith.constant 0 : i32
    %dma_wait3A_137 = tpu.memref_slice %arg4[%dma_wait3A_131, %mul3A_2, %dma_wait3A_136] : memref<50x4096x128xf32, #tpu.memory_space<hbm>> -> memref<1x128x128xf32, #tpu.memory_space<hbm>>
    %dma_wait3A_138 = tpu.memref_squeeze %dma_wait3A_137 : memref<1x128x128xf32, #tpu.memory_space<hbm>> -> memref<128x128xf32, #tpu.memory_space<hbm>>
    %dma_wait3A_139 = arith.constant 0 : i32
    %dma_wait3A_140 = tpu.memref_slice %arg4[%dma_wait3A_131, %mul3A_2, %dma_wait3A_139] : memref<50x4096x128xf32, #tpu.memory_space<hbm>> -> memref<1x128x128xf32, #tpu.memory_space<hbm>>
    %dma_wait3A_141 = tpu.memref_squeeze %dma_wait3A_140 : memref<1x128x128xf32, #tpu.memory_space<hbm>> -> memref<128x128xf32, #tpu.memory_space<hbm>>
    %dma_wait3A_142 = arith.constant 0 : i32
    %dma_wait3A_143 = arith.constant 0 : i32
    %dma_wait3A_144 = tpu.memref_slice %arg6[%dma_wait3A_130, %dma_wait3A_142, %dma_wait3A_143] : memref<5x128x128xf32, #tpu.memory_space<vmem>> -> memref<1x128x128xf32, #tpu.memory_space<vmem>>
    %dma_wait3A_145 = tpu.memref_squeeze %dma_wait3A_144 : memref<1x128x128xf32, #tpu.memory_space<vmem>> -> memref<128x128xf32, #tpu.memory_space<vmem>>
    tpu.wait_dma2 semaphore(%arg16 : memref<!tpu.dma_semaphore, #tpu.memory_space<semaphore_mem>>) src(%dma_wait3A_145 : memref<128x128xf32, #tpu.memory_space<vmem>>) dst(%dma_wait3A_141 : memref<128x128xf32, #tpu.memory_space<hbm>>)
    return
  }
}

</mosaic_0001>

<sc_bundles>
// kernel: kernel.3.cloned.1.call-start
scs
__scs_entry_jumppad:
0x0: {  	(pc) =	sbr.rel $0x88, $3  }
0x1: {  	(tag) =	ssettag $0x0;
	lr =	simm.s32 $0x1  }
0x2: {  	[smem:$0x3F9F] =	sst lr;
	_ =	strace $0xD0000000  }
0x3: {  	_ = 	snop  }
0x4: {  	_ = 	snop  }
0x5: {  	_ = 	snop  }
0x6: {  	_ = 	snop  }
0x7: {  	_ = 	snop  }
__scs_overlays_trampoline_lowered:
0x8: {  	[smem:$0x3FAE] =	sst s0  }
0x9: {  	[smem:$0x3FAF] =	sst s1  }
0xa: {  	[smem:$0x3FB0] =	sst s2  }
0xb: {  	[smem:$0x3FB1] =	sst s3  }
0xc: {  	[smem:$0x3FB2] =	sst s4  }
0xd: {  	[smem:$0x3FB3] =	sst s5  }
0xe: {  	[smem:$0x3FB4] =	sst s6  }
0xf: {  	[smem:$0x3FB5] =	sst s7  }
0x10: {  	[smem:$0x3FB6] =	sst s8  }
0x11: {  	[smem:$0x3FB7] =	sst s9;
	s0 =	simm.s32 @!p0 $0x0  }
0x12: {  	s1 =	sld [smem:$0x3F9D];
	s0 =	simm.s32 @p0 $0x1  }
0x13: {  	[smem:$0x3FB8] =	sst s0;
	s0 =	simm.s32 @!p1 $0x0  }
0x14: {  	s2 =	sld [smem:$0x3F9C];
	s0 =	simm.s32 @p1 $0x1  }
0x15: {  	[smem:$0x3FB9] =	sst s0;
	s0 =	simm.s32 @!p2 $0x0  }
0x16: {  	s3 =	sld [smem:$0x3FDB];
	s0 =	simm.s32 @p2 $0x1  }
0x17: {  	s4 =	simm.s32 $0x1BF5;
	[smem:$0x3FBB] =	sst s0  }
0x18: {  	s0 =	sld [smem:$0x3F9E];
	_ =	swait.ge [sflag:s4], $0x0  }
0x19: {  	s7 =	sld [smem:$0x3F9F]  }
0x1a: {  	s8 =	sadd.s32 $0xFFFFE003, lr  }
0x1b: {  	s9 =	sadd.s32 $0xFFFFFEF7, lr;
	s5 =	simm.s32 $0xFFFFFFFF;
	p2 =	slt.u32 s8, $0xFFFFF086  }
0x1c: {  	p1 =	slt.u32 s9, $0xF7A;
	s5 =	simm.s32 @!p2 $0x0  }
0x1d: {  	s5 =	simm.s32 @p1 $0x1;
	p0 =	seq.s32 s7, s2  }
0x1e: {  	s7 =	smul.u32 @!p0 $0xF7A, s2;
	p2 =	seq.s32 @!p0 s5, $0x0  }
0x1f: {  	s9 =	smul.u32 $0xF7A, s1;
	s8 =	simm.s32 @!p0 $0x1BF5;
	p2 =	por !p2, p0  }
0x20: {  	[sflag:s8] =	ssyncset.s32 @!p0 $0xFFFFF086;
	s6 =	sadd.s32 @!p0 s3, s7;
	s7 =	simm.s32 @!p0 $0x108  }
0x21: {  	s3 =	sadd.s32 s3, s9;
	s6 =	sadd.s32 @!p0 $0x88, s6;
	s7 =	simm.s32 @p2 $0x1082  }
0x22: {  	[simem:s7], [sflag:s8] =	dma.local @!p0 [hbm:s6], $0xF7A  }
0x23: {  	s9 =	sor.u32 $0xD0000000, s2;
	s6 =	simm.s32 $0x108;
	_ =	swait.ge @!p0 [sflag:s8], $0x0  }
0x24: {  	s3 =	sadd.s32 $0x88, s3;
	s6 =	simm.s32 @!p1 $0x1082;
	[sflag:s4] =	ssyncset.s32 $0xFFFFF086  }
0x25: {  	[simem:s6], [sflag:s4] =	dma.local [hbm:s3], $0xF7A  }
0x26: {  	[smem:$0x3F9F] =	sst s1;
	(tag) =	ssettag s2;
	_ =	strace s9  }
0x27: {  	s1 =	sld [smem:$0x3FAF]  }
0x28: {  	s2 =	sld [smem:$0x3FB0]  }
0x29: {  	s4 =	sld [smem:$0x3FB2]  }
0x2a: {  	p0 =	seq.s32 s5, $0x0;
	s5 =	sld [smem:$0x3FB3]  }
0x2b: {  	s6 =	sld [smem:$0x3FB4]  }
0x2c: {  	s7 =	sld [smem:$0x3FB5]  }
0x2d: {  	s3 =	simm.s32 $0x108;
	s8 =	sld [smem:$0x3FB6]  }
0x2e: {  	s3 =	simm.s32 @!p0 $0x1082;
	s9 =	sld [smem:$0x3FB7]  }
0x2f: {  	lr =	sadd.s32 s0, s3;
	s0 =	sld [smem:$0x3FAE]  }
0x30: {  	s3 =	sld [smem:$0x3FB1]  }
0x31: {  	[smem:$0x3FBA] =	sst s10  }
0x32: {  	s10 =	sld [smem:$0x3FB8];
	_ =	sdelay $0x3  }
0x33: {  	p0 =	seq.s32 s10, $0x1;
	s10 =	sld [smem:$0x3FBA];
	_ =	sdelay $0x3  }
0x34: {  	[smem:$0x3FBA] =	sst s10  }
0x35: {  	s10 =	sld [smem:$0x3FB9];
	_ =	sdelay $0x3  }
0x36: {  	p1 =	seq.s32 s10, $0x1;
	s10 =	sld [smem:$0x3FBA];
	_ =	sdelay $0x3  }
0x37: {  	[smem:$0x3FBA] =	sst s10  }
0x38: {  	s10 =	sld [smem:$0x3FBB]  }
0x39: {  	_ = 	snop;
	(pc) =	sbr.ind lr, $3  }
0x3a: {  	_ = 	snop  }
0x3b: {  	_ = 	snop  }
0x3c: {  	p2 =	seq.s32 s10, $0x1;
	s10 =	sld [smem:$0x3FBA]  }
0x3d: {  	_ =	shalt  }
0x3e: {  	_ =	shalt  }
0x3f: {  	_ =	shalt  }
0x40: {  	_ =	shalt  }
0x41: {  	_ =	shalt  }
0x42: {  	_ =	shalt  }
0x43: {  	_ =	shalt  }
0x44: {  	_ =	shalt  }
0x45: {  	_ =	shalt  }
0x46: {  	_ =	shalt  }
0x47: {  	_ =	shalt  }
0x48: {  	_ =	shalt  }
0x49: {  	_ =	shalt  }
0x4a: {  	_ =	shalt  }
0x4b: {  	_ =	shalt  }
0x4c: {  	_ =	shalt  }
0x4d: {  	_ =	shalt  }
0x4e: {  	_ =	shalt  }
0x4f: {  	_ =	shalt  }
0x50: {  	_ =	shalt  }
0x51: {  	_ =	shalt  }
0x52: {  	_ =	shalt  }
0x53: {  	_ =	shalt  }
0x54: {  	_ =	shalt  }
0x55: {  	_ =	shalt  }
0x56: {  	_ =	shalt  }
0x57: {  	_ =	shalt  }
0x58: {  	_ =	shalt  }
0x59: {  	_ =	shalt  }
0x5a: {  	_ =	shalt  }
0x5b: {  	_ =	shalt  }
0x5c: {  	_ =	shalt  }
0x5d: {  	_ =	shalt  }
0x5e: {  	_ =	shalt  }
0x5f: {  	_ =	shalt  }
0x60: {  	_ =	shalt  }
0x61: {  	_ =	shalt  }
0x62: {  	_ =	shalt  }
0x63: {  	_ =	shalt  }
0x64: {  	_ =	shalt  }
0x65: {  	_ =	shalt  }
0x66: {  	_ =	shalt  }
0x67: {  	_ =	shalt  }
0x68: {  	_ =	shalt  }
0x69: {  	_ =	shalt  }
0x6a: {  	_ =	shalt  }
0x6b: {  	_ =	shalt  }
0x6c: {  	_ =	shalt  }
0x6d: {  	_ =	shalt  }
0x6e: {  	_ =	shalt  }
0x6f: {  	_ =	shalt  }
0x70: {  	_ =	shalt  }
0x71: {  	_ =	shalt  }
0x72: {  	_ =	shalt  }
0x73: {  	_ =	shalt  }
0x74: {  	_ =	shalt  }
0x75: {  	_ =	shalt  }
0x76: {  	_ =	shalt  }
0x77: {  	_ =	shalt  }
0x78: {  	_ =	shalt  }
0x79: {  	_ =	shalt  }
0x7a: {  	_ =	shalt  }
0x7b: {  	_ =	shalt  }
0x7c: {  	_ =	shalt  }
0x7d: {  	_ =	shalt  }
0x7e: {  	_ =	shalt  }
0x7f: {  	_ =	shalt  }
0x80: {  	_ =	shalt  }
0x81: {  	_ =	shalt  }
0x82: {  	_ =	shalt  }
0x83: {  	_ =	shalt  }
0x84: {  	_ =	shalt  }
0x85: {  	_ =	shalt  }
0x86: {  	_ =	shalt  }
0x87: {  	_ =	shalt  }
.Lfunc_end0:
.L_simem_size_0:
called_computation_lowered:
.L_overlay_start_0:
0x88: {  	s2 =	sld [smem:$0x3FD9]  }
0x89: {  	s3 =	sld [smem:$0x3FFE];
	_ =	sdelay $0x1  }
0x8a: {  	s1 =	srdreg.scid  }
0x8b: {  	s0 =	sand.u32 $0x1, s1  }
0x8c: {  	s18 =	sshll.u32 s0, $0xA;
	s2 =	sadd.s32 s3, s2  }
0x8d: {  	s2 =	sadd.s32 s2, s18  }
0x8e: {  	[smem:$0x3FC6] =	sst s2  }
0x8f: {  	_ = 	snop  }
0x90: {  	s2 =	sld [smem:$0x3FC9]  }
0x91: {  	s19 =	sld [smem:$0x3FC8]  }
0x92: {  	s4 =	sld [smem:$0x3FD0];
	(tm) =	ssettm $0x1  }
0x93: {  	s5 =	sld [smem:$0x3FFB];
	_ =	sdelay $0x3  }
0x94: {  	_ =	strace s5  }
0x95: {  	s5 =	sld [smem:$0x3FFC];
	_ =	sdelay $0x3  }
0x96: {  	_ =	strace s5  }
0x97: {  	s5 =	sld [smem:$0x3FFD];
	_ =	sdelay $0x3  }
0x98: {  	_ =	strace s5  }
0x99: {  	_ =	strace $0x8FFFFFFF  }
0x9a: {  	s20 =	sld [smem:$0x3FDB];
	_ =	sdelay $0x1  }
0x9b: {  	s6 =	simm.s32 $_scs_section_size  }
0x9c: {  	s7 =	simm.s32 $_size__tile_overlayer_lowered;
	s8 =	simm.s32 $_tile_overlayer_lowered  }
0x9d: {  	s23 =	simm.s32 $0x1BFF;
	s22 =	sshll.u32 s8, $0x1;
	s5 =	sadd.s32 s6, s20  }
0x9e: {  	s9 =	simm.s32 $0x0;
	s21 =	sshll.u32 s7, $0x1;
	s7 =	sadd.s32 s22, s5  }
0x9f: {  	[timem:s9], [sflag:s23] =	dma.local [hbm:s7], s21  }
0xa0: {  	_ =	swait.ge [sflag:s23], s21  }
0xa1: {  	s6 =	ssub.s32 $0x0, s21;
	[sflag:s23] =	ssyncset.done $0x0  }
0xa2: {  	[sflag:s23] =	ssyncadd.s32 s6;
	_ =	sdelay $0x1  }
0xa3: {  	s24 =	simm.s32 $0x1B8B  }
0xa4: {  	_ =	swait.ge [sflag:s24], $0x1  }
0xa5: {  	[sflag:s24] =	ssyncset.done $0x0  }
0xa6: {  	s25 =	simm.s32 $0x1B8E;
	[sflag:s24] =	ssyncadd.s32 $0xFFFFFFFF  }
0xa7: {  	s26 =	simm.s32 $execute0_lowered;
	[smem:$0x3FD2] =	sst s25  }
0xa8: {  	s6 =	sshll.u32 s26, $0x1;
	_ =	strace $0x80000046;
	[dreg:$0x1] =	wrdreg $0xFFFFFFFF  }
0xa9: {  	s28 =	simm.s32 $_size_execute0_lowered;
	s5 =	sadd.s32 s5, s6;
	[dreg:$0x0] =	wrdreg $0x0  }
0xaa: {  	s6 =	sshll.u32 s28, $0x1;
	[dreg:$0x2] =	wrdreg s5  }
0xab: {  	[dreg:$0x3] =	wrdreg s6  }
0xac: {  	[dreg:$0x4] =	wrdreg $0xC0  }
0xad: {  	_ =	task [dreg:s9], $0x5FFFF  }
0xae: {  	[dreg:$0x1] =	wrdreg $0xFFFFFFFF  }
0xaf: {  	[dreg:$0x0] =	wrdreg $0x60  }
0xb0: {  	[dreg:$0x2] =	wrdreg s2  }
0xb1: {  	[dreg:$0x3] =	wrdreg s19  }
0xb2: {  	[dreg:$0x4] =	wrdreg s4  }
0xb3: {  	[dreg:$0x5] =	wrdreg $0x9  }
0xb4: {  	_ =	task.clear_ibuf [dreg:s9], $0x6FFFF;
	_ =	strace $0x90000046  }
0xb5: {  	s29 =	simm.s32 $0x9;
	_ =	strace $0x80000048  }
0xb6: {  	_ =	swait.ge [sflag:s29], $0x1  }
0xb7: {  	[sflag:s29] =	ssyncadd.s32 $0xFFFFFFFF  }
0xb8: {  	_ =	strace $0x90000048  }
0xb9: {  	_ =	sfence  }
0xba: {  	s30 =	sld [smem:$0x0];
	_ =	sdelay $0x2  }
0xbb: {  	s31 =	sshll.u32 s1, $0xD;
	s1 =	sshrl.u32 s1, $0x2  }
0xbc: {  	s3 =	sand.u32 $0x4000, s31;
	s1 =	sadd.s32 s1, s30  }
0xbd: {  	s0 =	sor.u32 s3, s0;
	s1 =	sshll.u32 s1, $0x11  }
0xbe: {  	s0 =	sor.u32 s1, s0  }
0xbf: {  	s0 =	sadd.s32 $0x8F2B, s0  }
0xc0: {  	[sflag:s0] =	ssyncadd.remote.s32 $0x1  }
0xc1: {  	_ =	sfence.sel $0xFFFF  }
0xc2: {  	[dreg:$0x0] =	wrdreg $0xFFFFFFFF;
	(pc) =	sbr.abs _section_cstart, $3  }
0xc3: {  	[dreg:$0x1] =	wrdreg $0xFFFFFFFF  }
0xc4: {  	_ =	task.clear_ibuf [dreg:s9], $0x2FFFF;
	_ =	strace $0x9FFFFFFF  }
0xc5: {  	(tm) =	ssettm $0x7FFFFFFF  }
tec
execute0_lowered:
.L_overlay_start_1:
0x0: {  	(tag) =	ssettag $0x1  }
0x1: {  	s0 =	rddreg [dreg:$0x0]  }
0x2: {  	s1 =	rddreg [dreg:$0x1]  }
0x3: {  	s2 =	rddreg [dreg:$0x2];
	s4 =	srdreg.scid  }
0x4: {  	s3 =	simm.s32 $0x0;
	s9 =	stileid.u32;
	s28 =	simm.s32 $0x1  }
0x5: {  	s29 =	simm.s32 $0x3;
	s30 =	simm.s32 $0x5;
	s31 =	simm.s32 $0x6  }
0x6: {  	s5 =	sand.u32 $0x1, s4;
	s6 =	sshll.u32 s9, $0x8;
	[smem:$0x7FF] =	sst s3  }
0x7: {  	s17 =	sshll.u32 s9, $0xF;
	s4 =	ssub.s32 $0x2, s5;
	s7 =	sshll.u32 s5, $0x7  }
0x8: {  	_ =	strace $0x80000047;
	s5 =	sshll.u32 s5, $0xE;
	s8 =	sshrl.u32 s4, $0x1  }
0x9: {  	s6 =	sor.u32 s7, s6;
	s5 =	sor.u32 s5, s17;
	s17 =	simm.s32 $0xB  }
0xa: {  	s14 =	ssub.s32 s4, s8;
	s15 =	sadd.s32 s0, s6;
	s16 =	sshll.u32 s6, $0x4  }
0xb: {  	s19 =	sor.u32 $0x200000, s5;
	s21 =	sor.u32 $0x180000, s5;
	s23 =	sor.u32 $0x100000, s5  }
0xc: {  	s25 =	sor.u32 $0x80000, s5;
	s5 =	sshrl.u32 s5, $0x3;
	[dreg:$0x4] =	wrdreg s15  }
0xd: {  	s4 =	sadd.s32 $0x6000, s15;
	s0 =	sadd.s32 s16, s2;
	s18 =	smax.u32 s14, $0x1  }
0xe: {  	s20 =	sshrl.u32 s19, $0x3;
	s22 =	sshrl.u32 s21, $0x3;
	s24 =	sshrl.u32 s23, $0x3  }
0xf: {  	s26 =	sshrl.u32 s25, $0x3;
	s19 =	simm.s32 $0x1C00;
	s14 =	simm.s32 $0x9  }
0x10: {  	s15 =	simm.s32 $0xA;
	s16 =	simm.s32 $0x0;
	[dreg:$0x5] =	wrdreg s4  }
0x11: {  	[dreg:$0x6] =	wrdreg s18;
	s7 =	sadd.s32 $0x2E0000, s0;
	s8 =	sadd.s32 $0x300000, s0  }
.Ltmp0:
0x12: {  	s0 =	sadd.s32 s20, s2;
	s20 =	sadd.s32 s5, s2;
	(pc) =	sbr.rel .LBB2_1-.Ltmp0, $4  }
0x13: {  	s18 =	simm.s32 $0x80;
	[dreg:$0x7] =	wrdreg s0;
	s0 =	sadd.s32 s22, s2  }
0x14: {  	s22 =	simm.s32 $0x9C00;
	[dreg:$0x8] =	wrdreg s0;
	s0 =	sadd.s32 s24, s2  }
0x15: {  	[dreg:$0x9] =	wrdreg s0;
	s0 =	sadd.s32 s26, s2;
	s26 =	simm.s32 $0x11C00  }
0x16: {  	s2 =	simm.s32 $0x8;
	[dreg:$0xa] =	wrdreg s0;
	s0 =	simm.s32 $0x7  }
.LBB2_4:
0x17: {  	_ =	swait.ge [sflag:s31], $0x4000  }
0x18: {  	[sflag:s31] =	ssyncset.done $0x0  }
0x19: {  	[sflag:s31] =	ssyncadd.s32 $0xFFFFC000  }
0x1a: {  	_ =	swait.ge [sflag:s0], $0x4000  }
0x1b: {  	[sflag:s0] =	ssyncset.done $0x0  }
0x1c: {  	[sflag:s0] =	ssyncadd.s32 $0xFFFFC000  }
0x1d: {  	_ =	swait.ge [sflag:s2], $0x4000  }
0x1e: {  	[sflag:s2] =	ssyncset.done $0x0  }
0x1f: {  	[sflag:s2] =	ssyncadd.s32 $0xFFFFC000  }
0x20: {  	_ =	swait.ge [sflag:s14], $0x4000  }
0x21: {  	[sflag:s14] =	ssyncset.done $0x0  }
0x22: {  	[sflag:s14] =	ssyncadd.s32 $0xFFFFC000  }
0x23: {  	_ =	swait.ge [sflag:s15], $0x4000  }
0x24: {  	s16 =	sadd.s32 $0x1, s16;
	s4 =	rddreg [dreg:$0x6]  }
0x25: {  	p0 =	sne.s32 s16, s4  }
.Ltmp1:
0x26: {  	_ = 	snop;
	(pc) =	sbr.rel @!p0 .LBB2_5-.Ltmp1, $3  }
0x27: {  	_ =	sdelay $0x1  }
0x28: {  	[sflag:s15] =	ssyncset.done $0x0  }
0x29: {  	[sflag:s15] =	ssyncadd.s32 $0xFFFFC000  }
.LBB2_1:
0x2a: {  	s4 =	rddreg [dreg:$0x4];
	s5 =	simm.s32 $0x400;
	s6 =	simm.s32 $0x8000  }
0x2b: {  	[tilespmem:s3], [sflag:$0xB] =	stream.strided.gather [hbm4b:s4+s5], $0x1800, s6, s5, $0x38;
	[tilespmem:$0x15C00] =	vst v63  }
0x2c: {  	s11 =	rddreg [dreg:$0x5];
	s12 =	simm.s32 $0x1800  }
0x2d: {  	[tilespmem:s12], [sflag:$0xB] =	stream.linear.gather [hbm4b:s11+s3], $0x100, $0x38;
	[tilespmem:$0x15C00] =	vst v63  }
0x2e: {  	_ =	swait.ge [sflag:s17], $0x1900  }
0x2f: {  	[sflag:s17] =	ssyncset.done $0x0  }
0x30: {  	[sflag:s17] =	ssyncadd.s32 $0xFFFFE700  }
0x31: {  	[tilespmem:s19], [sflag:$0x1] =	stream.indirect.gather [hbm4b:s1+s18], $0x80, s3, s18, $0xb8;
	[tilespmem:$0x15C00] =	vst v63  }
0x32: {  	s13 =	simm.s32 $0x5C00;
	s12 =	rddreg [dreg:$0xa]  }
0x33: {  	[tilespmem:s13], [sflag:$0x2] =	stream.indirect.gather [hbm4b:s1+s18], $0x80, s18, s18, $0xb8;
	[tilespmem:$0x15C00] =	vst v63  }
0x34: {  	s21 =	simm.s32 $0x100;
	s23 =	simm.s32 $0x180;
	s11 =	rddreg [dreg:$0x9]  }
0x35: {  	[tilespmem:s22], [sflag:$0x3] =	stream.indirect.gather [hbm4b:s1+s18], $0x80, s21, s18, $0xb8;
	[tilespmem:$0x15C00] =	vst v63  }
0x36: {  	s24 =	simm.s32 $0xDC00;
	s25 =	simm.s32 $0x200;
	s10 =	rddreg [dreg:$0x8]  }
0x37: {  	[tilespmem:s24], [sflag:$0x4] =	stream.indirect.gather [hbm4b:s1+s18], $0x80, s23, s18, $0xb8;
	[tilespmem:$0x15C00] =	vst v63  }
0x38: {  	s5 =	simm.s32 $0x0;
	s9 =	rddreg [dreg:$0x7];
	s13 =	smov.u32 s20  }
0x39: {  	[tilespmem:s26], [sflag:$0x5] =	stream.indirect.gather [hbm4b:s1+s18], $0x80, s25, s18, $0xb8;
	[tilespmem:$0x15C00] =	vst v63  }
.LBB2_2:
0x3a: {  	_ =	swait.ge [sflag:s28], $0x4000  }
0x3b: {  	p0 =	seq.s32 s5, $0x5A00;
	[sflag:s28] =	ssyncset.done $0x0  }
0x3c: {  	s4 =	simm.s32 @p0 $0x2;
	[sflag:s28] =	ssyncadd.s32 $0xFFFFC000  }
0x3d: {  	[hbm4b:s13+s3] =	stream.linear.scatter [tilespmem:s19], [sflag:$0x6], $0x4000, $0x38;
	[tilespmem:$0x15C00] =	vst v63  }
0x3e: {  	_ =	swait.ge @p0 [sflag:s4], $0x4000  }
0x3f: {  	[sflag:s4] =	ssyncset.done @p0 $0x0  }
0x40: {  	s6 =	simm.s32 @p0 $0x5C00;
	[sflag:s4] =	ssyncadd.s32 @p0 $0xFFFFC000;
	s4 =	simm.s32 @p0 $0x0  }
0x41: {  	[hbm4b:s7+s4] =	stream.linear.scatter @p0 [tilespmem:s6], [sflag:$0x7], $0x4000, $0x38;
	[tilespmem:$0x15C00] =	vst v63  }
0x42: {  	s6 =	simm.s32 @!p0 $0x6  }
0x43: {  	_ =	swait.ge @!p0 [sflag:s6], $0x4000  }
0x44: {  	[sflag:s6] =	ssyncset.done @!p0 $0x0  }
0x45: {  	[sflag:s6] =	ssyncadd.s32 @!p0 $0xFFFFC000;
	s6 =	sshra.s32 @!p0 s5, $0x2  }
0x46: {  	s24 =	simm.s32 @!p0 $0x80;
	s23 =	simm.s32 @!p0 $0x1C00;
	s25 =	sadd.s32 @!p0 $0x280, s6  }
0x47: {  	[tilespmem:s23], [sflag:$0x1] =	stream.indirect.gather @!p0 [hbm4b:s1+s24], $0x80, s25, s24, $0xb8;
	[tilespmem:$0x15C00] =	vst v63  }
0x48: {  	s23 =	simm.s32 @!p0 $0x2  }
0x49: {  	_ =	swait.ge @!p0 [sflag:s23], $0x4000  }
0x4a: {  	s21 =	simm.s32 @!p0 $0x7;
	[sflag:s23] =	ssyncset.done @!p0 $0x0  }
0x4b: {  	s25 =	simm.s32 @!p0 $0x5C00;
	[sflag:s23] =	ssyncadd.s32 @!p0 $0xFFFFC000;
	s23 =	simm.s32 @!p0 $0x0  }
0x4c: {  	[hbm4b:s12+s23] =	stream.linear.scatter @!p0 [tilespmem:s25], [sflag:$0x7], $0x4000, $0x38;
	[tilespmem:$0x15C00] =	vst v63  }
0x4d: {  	_ =	swait.ge @!p0 [sflag:s21], $0x4000  }
0x4e: {  	[sflag:s21] =	ssyncset.done @!p0 $0x0  }
0x4f: {  	[sflag:s21] =	ssyncadd.s32 @!p0 $0xFFFFC000;
	s21 =	sadd.s32 @!p0 $0x300, s6  }
0x50: {  	[tilespmem:s25], [sflag:$0x2] =	stream.indirect.gather @!p0 [hbm4b:s1+s24], $0x80, s21, s24, $0xb8;
	[tilespmem:$0x15C00] =	vst v63  }
0x51: {  	_ =	swait.ge [sflag:s29], $0x4000  }
0x52: {  	[sflag:s29] =	ssyncset.done $0x0  }
0x53: {  	s21 =	simm.s32 @p0 $0x4;
	[sflag:s29] =	ssyncadd.s32 $0xFFFFC000  }
0x54: {  	[hbm4b:s11+s3] =	stream.linear.scatter [tilespmem:s22], [sflag:$0x8], $0x4000, $0x38;
	[tilespmem:$0x15C00] =	vst v63  }
0x55: {  	_ =	swait.ge @p0 [sflag:s21], $0x4000  }
0x56: {  	[sflag:s21] =	ssyncset.done @p0 $0x0  }
0x57: {  	[sflag:s21] =	ssyncadd.s32 @p0 $0xFFFFC000;
	s21 =	simm.s32 @p0 $0xDC00  }
0x58: {  	[hbm4b:s8+s4] =	stream.linear.scatter @p0 [tilespmem:s21], [sflag:$0x9], $0x4000, $0x38;
	[tilespmem:$0x15C00] =	vst v63  }
0x59: {  	s4 =	simm.s32 @!p0 $0x8  }
0x5a: {  	_ =	swait.ge @!p0 [sflag:s4], $0x4000  }
0x5b: {  	[sflag:s4] =	ssyncset.done @!p0 $0x0  }
0x5c: {  	s21 =	simm.s32 @!p0 $0x9C00;
	[sflag:s4] =	ssyncadd.s32 @!p0 $0xFFFFC000;
	s4 =	sadd.s32 @!p0 $0x380, s6  }
0x5d: {  	[tilespmem:s21], [sflag:$0x3] =	stream.indirect.gather @!p0 [hbm4b:s1+s24], $0x80, s4, s24, $0xb8;
	[tilespmem:$0x15C00] =	vst v63  }
0x5e: {  	s4 =	simm.s32 @!p0 $0x4  }
0x5f: {  	_ =	swait.ge @!p0 [sflag:s4], $0x4000  }
0x60: {  	[sflag:s4] =	ssyncset.done @!p0 $0x0  }
0x61: {  	s21 =	simm.s32 @!p0 $0x9;
	[sflag:s4] =	ssyncadd.s32 @!p0 $0xFFFFC000;
	s4 =	simm.s32 @!p0 $0xDC00  }
0x62: {  	[hbm4b:s10+s23] =	stream.linear.scatter @!p0 [tilespmem:s4], [sflag:$0x9], $0x4000, $0x38;
	[tilespmem:$0x15C00] =	vst v63  }
0x63: {  	_ =	swait.ge @!p0 [sflag:s21], $0x4000  }
0x64: {  	[sflag:s21] =	ssyncset.done @!p0 $0x0  }
0x65: {  	s6 =	sadd.s32 @!p0 $0x400, s6;
	[sflag:s21] =	ssyncadd.s32 @!p0 $0xFFFFC000  }
0x66: {  	[tilespmem:s4], [sflag:$0x4] =	stream.indirect.gather @!p0 [hbm4b:s1+s24], $0x80, s6, s24, $0xb8;
	[tilespmem:$0x15C00] =	vst v63  }
.Ltmp2:
0x67: {  	_ = 	snop;
	(pc) =	sbr.rel @p0 .LBB2_4-.Ltmp2, $4  }
0x68: {  	_ =	swait.ge [sflag:s30], $0x4000  }
0x69: {  	[sflag:s30] =	ssyncset.done $0x0  }
0x6a: {  	[sflag:s30] =	ssyncadd.s32 $0xFFFFC000  }
0x6b: {  	[hbm4b:s9+s3] =	stream.linear.scatter [tilespmem:s26], [sflag:$0xA], $0x4000, $0x38;
	[tilespmem:$0x15C00] =	vst v63  }
.Ltmp3:
0x6c: {  	_ =	swait.ge [sflag:s15], $0x4000;
	s4 =	sshra.s32 s5, $0x2;
	(pc) =	sbr.rel .LBB2_2-.Ltmp3, $4  }
0x6d: {  	s5 =	sadd.s32 $0xA00, s5;
	s9 =	sadd.s32 $0x50000, s9;
	s10 =	sadd.s32 $0x50000, s10  }
0x6e: {  	s11 =	sadd.s32 $0x50000, s11;
	s12 =	sadd.s32 $0x50000, s12;
	[sflag:s15] =	ssyncset.done $0x0  }
0x6f: {  	s13 =	sadd.s32 $0x50000, s13;
	s4 =	sadd.s32 $0x480, s4;
	[sflag:s15] =	ssyncadd.s32 $0xFFFFC000  }
0x70: {  	[tilespmem:s26], [sflag:$0x5] =	stream.indirect.gather [hbm4b:s1+s18], $0x80, s4, s18, $0xb8;
	[tilespmem:$0x15C00] =	vst v63  }
.LBB2_5:
0x71: {  	_ =	sfence.sel $0x180000  }
0x72: {  	[bflag:$0x0] =	sbarrier.arrive $0xFFFF  }
0x73: {  	_ =	strace $0x90000047  }
0x74: {  	s0 =	stileid.u32;
	[bflag:$0x2] =	sbarrier.arrive $0xFFFF  }
0x75: {  	p0 =	sne.s32 s0, $0x0;
	s0 =	rddreg [dreg:$0x3]  }
0x76: {  	s0 =	sadd.s32 @!p0 $0x100000, s0  }
0x77: {  	[sflag:s0] =	ssyncadd.tile.s32 @!p0 $0x1;
	_ =	shalt  }
.Lfunc_end2:
_tile_overlayer_lowered:
.L_overlay_start_2:
0x78: {  	(tag) =	ssettag $0x2  }
0x79: {  	s0 =	rddreg [dreg:$0x0];
	s2 =	stileid.u32  }
0x7a: {  	s1 =	rddreg [dreg:$0x1];
	p0 =	sne.s32 s2, $0x0  }
0x7b: {  	s3 =	rddreg [dreg:$0x2];
	[bflag:$0x3] =	sbarrier.arrive $0xFFFF;
	s2 =	simm.s32 @!p0 $0x1C0B  }
0x7c: {  	[timem:s3], [sflag:s2] =	dma.local @!p0 [hbm:s0], s1  }
0x7d: {  	s0 =	simm.s32 @!p0 $0xB  }
0x7e: {  	_ =	swait.ge @!p0 [sflag:s0], s1  }
0x7f: {  	s1 =	ssub.s32 @!p0 $0x0, s1;
	[sflag:s0] =	ssyncset.done @!p0 $0x0  }
0x80: {  	[sflag:s0] =	ssyncadd.s32 @!p0 s1  }
0x81: {  	[bflag:$0x3] =	sbarrier.arrive $0xFFFF  }
0x82: {  	_ =	shalt  }

</sc_bundles>
